<compile_context>
chip_gen: v7x
topology: tpu7x:2x2x1
jax: 0.10.2.dev20260603
libtpu: 0.0.44.dev20260713+nightly
codegen_flags: <defaults>
</compile_context>

<pallas_src>
import functools

import jax
import jax.numpy as jnp
from jax import lax
from jax.experimental import pallas as pl
from jax.experimental.pallas import tpu as pltpu
from jax.experimental.pallas import tpu_sc as plsc

TOKENS = 8192
HIDDEN = 2048
N_EXPERTS = 64
N_GROUP = 8
GROUP_SIZE = N_EXPERTS // N_GROUP
TOPK_GROUP = 3
TOP_K = 8
N_CAND = TOPK_GROUP * GROUP_SIZE

L = 16
N_WORKERS = 32

TOKEN_BLOCK = 1024


def _logits_body(hs_ref, w_ref, out_ref, gmax_ref):
    logits = lax.dot_general(
        hs_ref[...], w_ref[...],
        (((1,), (1,)), ((), ())),
        preferred_element_type=jnp.float32,
    )
    out_ref[...] = logits
    parts = [
        jnp.max(logits[:, k * GROUP_SIZE:(k + 1) * GROUP_SIZE],
                axis=1, keepdims=True)
        for k in range(N_GROUP)
    ]
    gmax_ref[...] = jnp.concatenate(parts, axis=1)


def _compute_logits(hidden_states, gate_w):
    n_tok = hidden_states.shape[0]
    grid = (n_tok // TOKEN_BLOCK,)
    return pl.pallas_call(
        _logits_body,
        grid=grid,
        in_specs=[
            pl.BlockSpec((TOKEN_BLOCK, HIDDEN), lambda i: (i, 0)),
            pl.BlockSpec((N_EXPERTS, HIDDEN), lambda i: (0, 0)),
        ],
        out_specs=[
            pl.BlockSpec((TOKEN_BLOCK, N_EXPERTS), lambda i: (i, 0)),
            pl.BlockSpec((TOKEN_BLOCK, N_GROUP), lambda i: (i, 0)),
        ],
        out_shape=[
            jax.ShapeDtypeStruct((n_tok, N_EXPERTS), jnp.float32),
            jax.ShapeDtypeStruct((n_tok, N_GROUP), jnp.float32),
        ],
    )(hidden_states, gate_w)


def _splat_i32(v):
    return jnp.full((L,), v, jnp.int32)


def _tree_max(vals):
    vals = list(vals)
    while len(vals) > 1:
        nxt = [jnp.maximum(a, b) for a, b in zip(vals[0::2], vals[1::2])]
        if len(vals) % 2:
            nxt.append(vals[-1])
        vals = nxt
    return vals[0]


def _tree_min(vals):
    vals = list(vals)
    while len(vals) > 1:
        nxt = [jnp.minimum(a, b) for a, b in zip(vals[0::2], vals[1::2])]
        if len(vals) % 2:
            nxt.append(vals[-1])
        vals = nxt
    return vals[0]


def _to_sortable(bits):
    t = lax.shift_right_arithmetic(bits, _splat_i32(31)) & _splat_i32(
        0x7FFFFFFF)
    return bits ^ t


def _make_route_body(tok_per_w, n_batch):
  def _route_body(logits_hbm, gmax_hbm, out_hbm, lg_v, gm_v, out_v):
    wid = lax.axis_index("s") * 2 + lax.axis_index("c")
    base = wid * tok_per_w
    pltpu.sync_copy(logits_hbm.at[pl.ds(base, tok_per_w)], lg_v)
    pltpu.sync_copy(gmax_hbm.at[pl.ds(base, tok_per_w)], gm_v)

    lane = jnp.arange(L, dtype=jnp.int32)
    neg_inf = jnp.full((L,), -jnp.inf, jnp.float32)
    int_min = jnp.full((L,), -0x80000000, jnp.int32)

    def batch(b, carry):
        row = b * L + lane

        g = [plsc.load_gather(gm_v, [row, _splat_i32(k)])
             for k in range(N_GROUP)]

        sel = []
        for _ in range(TOPK_GROUP):
            m = _tree_max(g)
            idx = _tree_min([
                jnp.where(g[k] == m, _splat_i32(k), _splat_i32(N_GROUP))
                for k in range(N_GROUP)
            ])
            sel.append(idx)
            for k in range(N_GROUP):
                g[k] = jnp.where(idx == k, neg_inf, g[k])

        cands = []
        for c in range(N_CAND):
            col = sel[c // GROUP_SIZE] * GROUP_SIZE + (c % GROUP_SIZE)
            cands.append(plsc.load_gather(lg_v, [row, col]))

        keys = []
        for c, v in enumerate(cands):
            s = _to_sortable(lax.bitcast_convert_type(v, jnp.int32))
            keys.append((s & _splat_i32(-32)) | _splat_i32(c))
        top = []
        for _ in range(TOP_K):
            m = _tree_max(keys)
            for c in range(N_CAND):
                keys[c] = jnp.where(keys[c] == m, int_min, keys[c])
            top.append(lax.bitcast_convert_type(
                _to_sortable(m & _splat_i32(-32)), jnp.float32))

        es = [jnp.exp(t - top[0]) for t in top]
        s = es[0]
        for r in range(1, TOP_K):
            s = s + es[r]
        for r in range(TOP_K):
            plsc.store_scatter(out_v, [row, _splat_i32(r)], es[r] / s)

        return carry

    lax.fori_loop(0, n_batch, batch, 0)
    pltpu.sync_copy(out_v, out_hbm.at[pl.ds(base, tok_per_w)])

  return _route_body


def _route(logits, gmax):
    n_tok = logits.shape[0]
    tok_per_w = n_tok // N_WORKERS
    n_batch = tok_per_w // L
    mesh = plsc.VectorSubcoreMesh(core_axis_name="c", subcore_axis_name="s")
    f = functools.partial(
        pl.kernel,
        mesh=mesh,
        out_type=jax.ShapeDtypeStruct((n_tok, TOP_K), jnp.float32),
        scratch_types=[
            pltpu.VMEM((tok_per_w, N_EXPERTS), jnp.float32),
            pltpu.VMEM((tok_per_w, N_GROUP), jnp.float32),
            pltpu.VMEM((tok_per_w, TOP_K), jnp.float32),
        ],
        compiler_params=pltpu.CompilerParams(needs_layout_passes=False),
    )(_make_route_body(tok_per_w, n_batch))
    return f(logits, gmax)


def kernel(hidden_states, kernel):
    logits, gmax = _compute_logits(hidden_states, kernel)
    return _route(logits, gmax)

# --- scband reference (transcript-rebuilt; emitter-appended) ---
"""Pipeline reference for scband-mo-egate-74457553043890 (READ-ONLY COPY).

The authoritative reference and input builder live on the scoring server;
editing this copy changes nothing except your own understanding.
"""

import jax, jax.numpy as jnp
import numpy as np

TOKENS = 8192
HIDDEN = 2048
N_EXPERTS = 64
N_GROUP = 8
TOPK_GROUP = 3
TOP_K = 8
ROUTED_SCALING_FACTOR = 1.0
NORM_TOPK_PROB = True


def setup_inputs(seed: int = 0) -> dict:
    key = jax.random.key(seed)
    k1, k2 = jax.random.split(key)
    hidden_states = jax.random.normal(k1, (TOKENS, HIDDEN), dtype=jnp.float32)
    # kaiming_uniform init for gate kernel of shape (n_routed_experts, gating_dim)
    bound = float(np.sqrt(6.0 / HIDDEN))
    kernel = jax.random.uniform(k2, (N_EXPERTS, HIDDEN), dtype=jnp.float32, minval=-bound, maxval=bound)
    return {"hidden_states": hidden_states, "kernel": kernel}


def reference(hidden_states, kernel):
    seu = hidden_states.shape[0]
    # logits: [tokens, n_experts]
    logits = jnp.matmul(hidden_states.astype(jnp.float32), kernel.astype(jnp.float32).T)
    scores = jax.nn.softmax(logits.astype(jnp.float32), axis=-1)
    # group_limited_greedy top-k
    group_scores = scores.reshape(seu, N_GROUP, -1).max(axis=-1)
    top_k_indices = jax.lax.top_k(group_scores, TOPK_GROUP)[1]
    group_mask = jnp.zeros_like(group_scores)
    n_indices = jnp.arange(group_mask.shape[0])[:, None]
    group_mask = group_mask.at[n_indices, top_k_indices].set(1)
    score_mask = jnp.repeat(group_mask[:, :, None], N_EXPERTS // N_GROUP, axis=2)
    score_mask = score_mask.reshape(seu, -1)
    masked_scores = jnp.where(score_mask.astype(bool), scores, 0.0)
    topk_weight, _ = jax.lax.top_k(masked_scores, TOP_K)
    if TOP_K > 1 and NORM_TOPK_PROB:
        denominator = jnp.sum(topk_weight, axis=-1, keepdims=True) + 1e-20
        topk_weight = topk_weight / denominator
    else:
        topk_weight = topk_weight * ROUTED_SCALING_FACTOR
    return topk_weight

if __name__ == "__main__":
    import jax
    _d = setup_inputs()
    print(jax.jit(kernel)(*tuple(_d.values())))

</pallas_src>

<mosaic_0001>
#map = affine_map<(d0, d1) -> (0, 0)>
module attributes {stable_mosaic.version = 14 : i64} {
  func.func @_route_body(%arg0: i32, %arg1: i32, %arg2: memref<8192x64xf32, #tpu.memory_space<hbm>>, %arg3: memref<8192x8xf32, #tpu.memory_space<hbm>>, %arg4: memref<8192x8xf32, #tpu.memory_space<hbm>>, %arg5: memref<256x64xf32, #tpu.memory_space<vmem>>, %arg6: memref<256x8xf32, #tpu.memory_space<vmem>>, %arg7: memref<256x8xf32, #tpu.memory_space<vmem>>) attributes {dimension_semantics = [#tpu.dimension_semantics<core_parallel>, #tpu.dimension_semantics<subcore_parallel>], iteration_bounds = array<i64: 2, 16>, scalar_prefetch = 0 : i64, scratch_operands = 3 : i64, tpu.core_type = #tpu.core_type<sc_vector_subcore>, window_params = [{transform_indices = #map}, {transform_indices = #map}, {transform_indices = #map}]} {
    %mul3A = arith.constant 2 : i32
    %mul3A_0 = arith.muli %arg1, %mul3A : i32
    %add3A = arith.addi %mul3A_0, %arg0 : i32
    %mul3A_1 = arith.constant 256 : i32
    %mul3A_2 = arith.muli %add3A, %mul3A_1 : i32
    "tpu.region"() ({
      %run_scoped3A = tpu.sem_alloc : memref<!tpu.dma_semaphore, #tpu.memory_space<semaphore_mem>>
      %dma_start3A = arith.constant 0 : i32
      %dma_start3A_11 = tpu.memref_slice %arg2[%mul3A_2, %dma_start3A] : memref<8192x64xf32, #tpu.memory_space<hbm>> -> memref<256x64xf32, #tpu.memory_space<hbm>>
      %dma_start3A_12 = arith.constant 0 : i32
      %dma_start3A_13 = tpu.memref_slice %arg2[%mul3A_2, %dma_start3A_12] : memref<8192x64xf32, #tpu.memory_space<hbm>> -> memref<256x64xf32, #tpu.memory_space<hbm>>
      tpu.enqueue_dma source(%dma_start3A_13 : memref<256x64xf32, #tpu.memory_space<hbm>>) target(%arg5 : memref<256x64xf32, #tpu.memory_space<vmem>>) target_semaphore(%run_scoped3A : memref<!tpu.dma_semaphore, #tpu.memory_space<semaphore_mem>>)
      %dma_wait3A = arith.constant 0 : i32
      %dma_wait3A_14 = tpu.memref_slice %arg2[%mul3A_2, %dma_wait3A] : memref<8192x64xf32, #tpu.memory_space<hbm>> -> memref<256x64xf32, #tpu.memory_space<hbm>>
      %dma_wait3A_15 = arith.constant 0 : i32
      %dma_wait3A_16 = tpu.memref_slice %arg2[%mul3A_2, %dma_wait3A_15] : memref<8192x64xf32, #tpu.memory_space<hbm>> -> memref<256x64xf32, #tpu.memory_space<hbm>>
      tpu.wait_dma2 semaphore(%run_scoped3A : memref<!tpu.dma_semaphore, #tpu.memory_space<semaphore_mem>>) src(%dma_wait3A_16 : memref<256x64xf32, #tpu.memory_space<hbm>>) dst(%arg5 : memref<256x64xf32, #tpu.memory_space<vmem>>)
      tpu.yield
    }) : () -> ()
    "tpu.region"() ({
      %run_scoped3A = tpu.sem_alloc : memref<!tpu.dma_semaphore, #tpu.memory_space<semaphore_mem>>
      %dma_start3A = arith.constant 0 : i32
      %dma_start3A_11 = tpu.memref_slice %arg3[%mul3A_2, %dma_start3A] : memref<8192x8xf32, #tpu.memory_space<hbm>> -> memref<256x8xf32, #tpu.memory_space<hbm>>
      %dma_start3A_12 = arith.constant 0 : i32
      %dma_start3A_13 = tpu.memref_slice %arg3[%mul3A_2, %dma_start3A_12] : memref<8192x8xf32, #tpu.memory_space<hbm>> -> memref<256x8xf32, #tpu.memory_space<hbm>>
      tpu.enqueue_dma source(%dma_start3A_13 : memref<256x8xf32, #tpu.memory_space<hbm>>) target(%arg6 : memref<256x8xf32, #tpu.memory_space<vmem>>) target_semaphore(%run_scoped3A : memref<!tpu.dma_semaphore, #tpu.memory_space<semaphore_mem>>)
      %dma_wait3A = arith.constant 0 : i32
      %dma_wait3A_14 = tpu.memref_slice %arg3[%mul3A_2, %dma_wait3A] : memref<8192x8xf32, #tpu.memory_space<hbm>> -> memref<256x8xf32, #tpu.memory_space<hbm>>
      %dma_wait3A_15 = arith.constant 0 : i32
      %dma_wait3A_16 = tpu.memref_slice %arg3[%mul3A_2, %dma_wait3A_15] : memref<8192x8xf32, #tpu.memory_space<hbm>> -> memref<256x8xf32, #tpu.memory_space<hbm>>
      tpu.wait_dma2 semaphore(%run_scoped3A : memref<!tpu.dma_semaphore, #tpu.memory_space<semaphore_mem>>) src(%dma_wait3A_16 : memref<256x8xf32, #tpu.memory_space<hbm>>) dst(%arg6 : memref<256x8xf32, #tpu.memory_space<vmem>>)
      tpu.yield
    }) : () -> ()
    %iota3A = tpu.iota {dimensions = array<i32: 0>} : vector<16xi32>
    %broadcast_in_dim3A = arith.constant 0xFF800000 : f32
    %broadcast_in_dim3A_3 = vector.broadcast %broadcast_in_dim3A : f32 to vector<16xf32>
    %broadcast_in_dim3A_4 = arith.constant -2147483648 : i32
    %broadcast_in_dim3A_5 = vector.broadcast %broadcast_in_dim3A_4 : i32 to vector<16xi32>
    %scan3A = arith.constant 0 : i32
    %scan3A_6 = arith.constant 0 : i32
    %scan3A_7 = arith.constant 16 : i32
    %scan3A_8 = arith.addi %scan3A_6, %scan3A_7 : i32
    %scan3A_9 = arith.constant 1 : i32
    scf.for %scan3A_11 = %scan3A_6 to %scan3A_8 step %scan3A_9  : i32 {
      %mul3A_12 = arith.constant 16 : i32
      %mul3A_13 = arith.muli %scan3A_11, %mul3A_12 : i32
      %add3A_14 = vector.broadcast %mul3A_13 : i32 to vector<16xi32>
      %add3A_15 = arith.addi %add3A_14, %iota3A : vector<16xi32>
      %broadcast_in_dim3A_16 = arith.constant 0 : i32
      %broadcast_in_dim3A_17 = vector.broadcast %broadcast_in_dim3A_16 : i32 to vector<16xi32>
      %gather3A = tpu.vector_load_idx %arg6[%add3A_15, %broadcast_in_dim3A_17] : memref<256x8xf32, #tpu.memory_space<vmem>>[vector<16xi32>, vector<16xi32>], vector<16xf32>,
      %broadcast_in_dim3A_18 = arith.constant 1 : i32
      %broadcast_in_dim3A_19 = vector.broadcast %broadcast_in_dim3A_18 : i32 to vector<16xi32>
      %gather3A_20 = tpu.vector_load_idx %arg6[%add3A_15, %broadcast_in_dim3A_19] : memref<256x8xf32, #tpu.memory_space<vmem>>[vector<16xi32>, vector<16xi32>], vector<16xf32>,
      %broadcast_in_dim3A_21 = arith.constant 2 : i32
      %broadcast_in_dim3A_22 = vector.broadcast %broadcast_in_dim3A_21 : i32 to vector<16xi32>
      %gather3A_23 = tpu.vector_load_idx %arg6[%add3A_15, %broadcast_in_dim3A_22] : memref<256x8xf32, #tpu.memory_space<vmem>>[vector<16xi32>, vector<16xi32>], vector<16xf32>,
      %broadcast_in_dim3A_24 = arith.constant 3 : i32
      %broadcast_in_dim3A_25 = vector.broadcast %broadcast_in_dim3A_24 : i32 to vector<16xi32>
      %gather3A_26 = tpu.vector_load_idx %arg6[%add3A_15, %broadcast_in_dim3A_25] : memref<256x8xf32, #tpu.memory_space<vmem>>[vector<16xi32>, vector<16xi32>], vector<16xf32>,
      %broadcast_in_dim3A_27 = arith.constant 4 : i32
      %broadcast_in_dim3A_28 = vector.broadcast %broadcast_in_dim3A_27 : i32 to vector<16xi32>
      %gather3A_29 = tpu.vector_load_idx %arg6[%add3A_15, %broadcast_in_dim3A_28] : memref<256x8xf32, #tpu.memory_space<vmem>>[vector<16xi32>, vector<16xi32>], vector<16xf32>,
      %broadcast_in_dim3A_30 = arith.constant 5 : i32
      %broadcast_in_dim3A_31 = vector.broadcast %broadcast_in_dim3A_30 : i32 to vector<16xi32>
      %gather3A_32 = tpu.vector_load_idx %arg6[%add3A_15, %broadcast_in_dim3A_31] : memref<256x8xf32, #tpu.memory_space<vmem>>[vector<16xi32>, vector<16xi32>], vector<16xf32>,
      %broadcast_in_dim3A_33 = arith.constant 6 : i32
      %broadcast_in_dim3A_34 = vector.broadcast %broadcast_in_dim3A_33 : i32 to vector<16xi32>
      %gather3A_35 = tpu.vector_load_idx %arg6[%add3A_15, %broadcast_in_dim3A_34] : memref<256x8xf32, #tpu.memory_space<vmem>>[vector<16xi32>, vector<16xi32>], vector<16xf32>,
      %broadcast_in_dim3A_36 = arith.constant 7 : i32
      %broadcast_in_dim3A_37 = vector.broadcast %broadcast_in_dim3A_36 : i32 to vector<16xi32>
      %gather3A_38 = tpu.vector_load_idx %arg6[%add3A_15, %broadcast_in_dim3A_37] : memref<256x8xf32, #tpu.memory_space<vmem>>[vector<16xi32>, vector<16xi32>], vector<16xf32>,
      %max3A = arith.maximumf %gather3A, %gather3A_20 : vector<16xf32>
      %max3A_39 = arith.maximumf %gather3A_23, %gather3A_26 : vector<16xf32>
      %max3A_40 = arith.maximumf %gather3A_29, %gather3A_32 : vector<16xf32>
      %max3A_41 = arith.maximumf %gather3A_35, %gather3A_38 : vector<16xf32>
      %max3A_42 = arith.maximumf %max3A, %max3A_39 : vector<16xf32>
      %max3A_43 = arith.maximumf %max3A_40, %max3A_41 : vector<16xf32>
      %max3A_44 = arith.maximumf %max3A_42, %max3A_43 : vector<16xf32>
      %eq3A = arith.cmpf oeq, %gather3A, %max3A_44 : vector<16xf32>
      %broadcast_in_dim3A_45 = arith.constant 0 : i32
      %broadcast_in_dim3A_46 = vector.broadcast %broadcast_in_dim3A_45 : i32 to vector<16xi32>
      %broadcast_in_dim3A_47 = arith.constant 8 : i32
      %broadcast_in_dim3A_48 = vector.broadcast %broadcast_in_dim3A_47 : i32 to vector<16xi32>
      %select_n3A = arith.select %eq3A, %broadcast_in_dim3A_46, %broadcast_in_dim3A_48 : vector<16xi1>, vector<16xi32>
      %eq3A_49 = arith.cmpf oeq, %gather3A_20, %max3A_44 : vector<16xf32>
      %broadcast_in_dim3A_50 = arith.constant 1 : i32
      %broadcast_in_dim3A_51 = vector.broadcast %broadcast_in_dim3A_50 : i32 to vector<16xi32>
      %broadcast_in_dim3A_52 = arith.constant 8 : i32
      %broadcast_in_dim3A_53 = vector.broadcast %broadcast_in_dim3A_52 : i32 to vector<16xi32>
      %select_n3A_54 = arith.select %eq3A_49, %broadcast_in_dim3A_51, %broadcast_in_dim3A_53 : vector<16xi1>, vector<16xi32>
      %eq3A_55 = arith.cmpf oeq, %gather3A_23, %max3A_44 : vector<16xf32>
      %broadcast_in_dim3A_56 = arith.constant 2 : i32
      %broadcast_in_dim3A_57 = vector.broadcast %broadcast_in_dim3A_56 : i32 to vector<16xi32>
      %broadcast_in_dim3A_58 = arith.constant 8 : i32
      %broadcast_in_dim3A_59 = vector.broadcast %broadcast_in_dim3A_58 : i32 to vector<16xi32>
      %select_n3A_60 = arith.select %eq3A_55, %broadcast_in_dim3A_57, %broadcast_in_dim3A_59 : vector<16xi1>, vector<16xi32>
      %eq3A_61 = arith.cmpf oeq, %gather3A_26, %max3A_44 : vector<16xf32>
      %broadcast_in_dim3A_62 = arith.constant 3 : i32
      %broadcast_in_dim3A_63 = vector.broadcast %broadcast_in_dim3A_62 : i32 to vector<16xi32>
      %broadcast_in_dim3A_64 = arith.constant 8 : i32
      %broadcast_in_dim3A_65 = vector.broadcast %broadcast_in_dim3A_64 : i32 to vector<16xi32>
      %select_n3A_66 = arith.select %eq3A_61, %broadcast_in_dim3A_63, %broadcast_in_dim3A_65 : vector<16xi1>, vector<16xi32>
      %eq3A_67 = arith.cmpf oeq, %gather3A_29, %max3A_44 : vector<16xf32>
      %broadcast_in_dim3A_68 = arith.constant 4 : i32
      %broadcast_in_dim3A_69 = vector.broadcast %broadcast_in_dim3A_68 : i32 to vector<16xi32>
      %broadcast_in_dim3A_70 = arith.constant 8 : i32
      %broadcast_in_dim3A_71 = vector.broadcast %broadcast_in_dim3A_70 : i32 to vector<16xi32>
      %select_n3A_72 = arith.select %eq3A_67, %broadcast_in_dim3A_69, %broadcast_in_dim3A_71 : vector<16xi1>, vector<16xi32>
      %eq3A_73 = arith.cmpf oeq, %gather3A_32, %max3A_44 : vector<16xf32>
      %broadcast_in_dim3A_74 = arith.constant 5 : i32
      %broadcast_in_dim3A_75 = vector.broadcast %broadcast_in_dim3A_74 : i32 to vector<16xi32>
      %broadcast_in_dim3A_76 = arith.constant 8 : i32
      %broadcast_in_dim3A_77 = vector.broadcast %broadcast_in_dim3A_76 : i32 to vector<16xi32>
      %select_n3A_78 = arith.select %eq3A_73, %broadcast_in_dim3A_75, %broadcast_in_dim3A_77 : vector<16xi1>, vector<16xi32>
      %eq3A_79 = arith.cmpf oeq, %gather3A_35, %max3A_44 : vector<16xf32>
      %broadcast_in_dim3A_80 = arith.constant 6 : i32
      %broadcast_in_dim3A_81 = vector.broadcast %broadcast_in_dim3A_80 : i32 to vector<16xi32>
      %broadcast_in_dim3A_82 = arith.constant 8 : i32
      %broadcast_in_dim3A_83 = vector.broadcast %broadcast_in_dim3A_82 : i32 to vector<16xi32>
      %select_n3A_84 = arith.select %eq3A_79, %broadcast_in_dim3A_81, %broadcast_in_dim3A_83 : vector<16xi1>, vector<16xi32>
      %eq3A_85 = arith.cmpf oeq, %gather3A_38, %max3A_44 : vector<16xf32>
      %broadcast_in_dim3A_86 = arith.constant 7 : i32
      %broadcast_in_dim3A_87 = vector.broadcast %broadcast_in_dim3A_86 : i32 to vector<16xi32>
      %broadcast_in_dim3A_88 = arith.constant 8 : i32
      %broadcast_in_dim3A_89 = vector.broadcast %broadcast_in_dim3A_88 : i32 to vector<16xi32>
      %select_n3A_90 = arith.select %eq3A_85, %broadcast_in_dim3A_87, %broadcast_in_dim3A_89 : vector<16xi1>, vector<16xi32>
      %min3A = arith.minsi %select_n3A, %select_n3A_54 : vector<16xi32>
      %min3A_91 = arith.minsi %select_n3A_60, %select_n3A_66 : vector<16xi32>
      %min3A_92 = arith.minsi %select_n3A_72, %select_n3A_78 : vector<16xi32>
      %min3A_93 = arith.minsi %select_n3A_84, %select_n3A_90 : vector<16xi32>
      %min3A_94 = arith.minsi %min3A, %min3A_91 : vector<16xi32>
      %min3A_95 = arith.minsi %min3A_92, %min3A_93 : vector<16xi32>
      %min3A_96 = arith.minsi %min3A_94, %min3A_95 : vector<16xi32>
      %eq3A_97 = arith.constant 0 : i32
      %eq3A_98 = vector.broadcast %eq3A_97 : i32 to vector<16xi32>
      %eq3A_99 = arith.cmpi eq, %min3A_96, %eq3A_98 : vector<16xi32>
      %select_n3A_100 = arith.select %eq3A_99, %broadcast_in_dim3A_3, %gather3A : vector<16xi1>, vector<16xf32>
      %eq3A_101 = arith.constant 1 : i32
      %eq3A_102 = vector.broadcast %eq3A_101 : i32 to vector<16xi32>
      %eq3A_103 = arith.cmpi eq, %min3A_96, %eq3A_102 : vector<16xi32>
      %select_n3A_104 = arith.select %eq3A_103, %broadcast_in_dim3A_3, %gather3A_20 : vector<16xi1>, vector<16xf32>
      %eq3A_105 = arith.constant 2 : i32
      %eq3A_106 = vector.broadcast %eq3A_105 : i32 to vector<16xi32>
      %eq3A_107 = arith.cmpi eq, %min3A_96, %eq3A_106 : vector<16xi32>
      %select_n3A_108 = arith.select %eq3A_107, %broadcast_in_dim3A_3, %gather3A_23 : vector<16xi1>, vector<16xf32>
      %eq3A_109 = arith.constant 3 : i32
      %eq3A_110 = vector.broadcast %eq3A_109 : i32 to vector<16xi32>
      %eq3A_111 = arith.cmpi eq, %min3A_96, %eq3A_110 : vector<16xi32>
      %select_n3A_112 = arith.select %eq3A_111, %broadcast_in_dim3A_3, %gather3A_26 : vector<16xi1>, vector<16xf32>
      %eq3A_113 = arith.constant 4 : i32
      %eq3A_114 = vector.broadcast %eq3A_113 : i32 to vector<16xi32>
      %eq3A_115 = arith.cmpi eq, %min3A_96, %eq3A_114 : vector<16xi32>
      %select_n3A_116 = arith.select %eq3A_115, %broadcast_in_dim3A_3, %gather3A_29 : vector<16xi1>, vector<16xf32>
      %eq3A_117 = arith.constant 5 : i32
      %eq3A_118 = vector.broadcast %eq3A_117 : i32 to vector<16xi32>
      %eq3A_119 = arith.cmpi eq, %min3A_96, %eq3A_118 : vector<16xi32>
      %select_n3A_120 = arith.select %eq3A_119, %broadcast_in_dim3A_3, %gather3A_32 : vector<16xi1>, vector<16xf32>
      %eq3A_121 = arith.constant 6 : i32
      %eq3A_122 = vector.broadcast %eq3A_121 : i32 to vector<16xi32>
      %eq3A_123 = arith.cmpi eq, %min3A_96, %eq3A_122 : vector<16xi32>
      %select_n3A_124 = arith.select %eq3A_123, %broadcast_in_dim3A_3, %gather3A_35 : vector<16xi1>, vector<16xf32>
      %eq3A_125 = arith.constant 7 : i32
      %eq3A_126 = vector.broadcast %eq3A_125 : i32 to vector<16xi32>
      %eq3A_127 = arith.cmpi eq, %min3A_96, %eq3A_126 : vector<16xi32>
      %select_n3A_128 = arith.select %eq3A_127, %broadcast_in_dim3A_3, %gather3A_38 : vector<16xi1>, vector<16xf32>
      %max3A_129 = arith.maximumf %select_n3A_100, %select_n3A_104 : vector<16xf32>
      %max3A_130 = arith.maximumf %select_n3A_108, %select_n3A_112 : vector<16xf32>
      %max3A_131 = arith.maximumf %select_n3A_116, %select_n3A_120 : vector<16xf32>
      %max3A_132 = arith.maximumf %select_n3A_124, %select_n3A_128 : vector<16xf32>
      %max3A_133 = arith.maximumf %max3A_129, %max3A_130 : vector<16xf32>
      %max3A_134 = arith.maximumf %max3A_131, %max3A_132 : vector<16xf32>
      %max3A_135 = arith.maximumf %max3A_133, %max3A_134 : vector<16xf32>
      %eq3A_136 = arith.cmpf oeq, %select_n3A_100, %max3A_135 : vector<16xf32>
      %broadcast_in_dim3A_137 = arith.constant 0 : i32
      %broadcast_in_dim3A_138 = vector.broadcast %broadcast_in_dim3A_137 : i32 to vector<16xi32>
      %broadcast_in_dim3A_139 = arith.constant 8 : i32
      %broadcast_in_dim3A_140 = vector.broadcast %broadcast_in_dim3A_139 : i32 to vector<16xi32>
      %select_n3A_141 = arith.select %eq3A_136, %broadcast_in_dim3A_138, %broadcast_in_dim3A_140 : vector<16xi1>, vector<16xi32>
      %eq3A_142 = arith.cmpf oeq, %select_n3A_104, %max3A_135 : vector<16xf32>
      %broadcast_in_dim3A_143 = arith.constant 1 : i32
      %broadcast_in_dim3A_144 = vector.broadcast %broadcast_in_dim3A_143 : i32 to vector<16xi32>
      %broadcast_in_dim3A_145 = arith.constant 8 : i32
      %broadcast_in_dim3A_146 = vector.broadcast %broadcast_in_dim3A_145 : i32 to vector<16xi32>
      %select_n3A_147 = arith.select %eq3A_142, %broadcast_in_dim3A_144, %broadcast_in_dim3A_146 : vector<16xi1>, vector<16xi32>
      %eq3A_148 = arith.cmpf oeq, %select_n3A_108, %max3A_135 : vector<16xf32>
      %broadcast_in_dim3A_149 = arith.constant 2 : i32
      %broadcast_in_dim3A_150 = vector.broadcast %broadcast_in_dim3A_149 : i32 to vector<16xi32>
      %broadcast_in_dim3A_151 = arith.constant 8 : i32
      %broadcast_in_dim3A_152 = vector.broadcast %broadcast_in_dim3A_151 : i32 to vector<16xi32>
      %select_n3A_153 = arith.select %eq3A_148, %broadcast_in_dim3A_150, %broadcast_in_dim3A_152 : vector<16xi1>, vector<16xi32>
      %eq3A_154 = arith.cmpf oeq, %select_n3A_112, %max3A_135 : vector<16xf32>
      %broadcast_in_dim3A_155 = arith.constant 3 : i32
      %broadcast_in_dim3A_156 = vector.broadcast %broadcast_in_dim3A_155 : i32 to vector<16xi32>
      %broadcast_in_dim3A_157 = arith.constant 8 : i32
      %broadcast_in_dim3A_158 = vector.broadcast %broadcast_in_dim3A_157 : i32 to vector<16xi32>
      %select_n3A_159 = arith.select %eq3A_154, %broadcast_in_dim3A_156, %broadcast_in_dim3A_158 : vector<16xi1>, vector<16xi32>
      %eq3A_160 = arith.cmpf oeq, %select_n3A_116, %max3A_135 : vector<16xf32>
      %broadcast_in_dim3A_161 = arith.constant 4 : i32
      %broadcast_in_dim3A_162 = vector.broadcast %broadcast_in_dim3A_161 : i32 to vector<16xi32>
      %broadcast_in_dim3A_163 = arith.constant 8 : i32
      %broadcast_in_dim3A_164 = vector.broadcast %broadcast_in_dim3A_163 : i32 to vector<16xi32>
      %select_n3A_165 = arith.select %eq3A_160, %broadcast_in_dim3A_162, %broadcast_in_dim3A_164 : vector<16xi1>, vector<16xi32>
      %eq3A_166 = arith.cmpf oeq, %select_n3A_120, %max3A_135 : vector<16xf32>
      %broadcast_in_dim3A_167 = arith.constant 5 : i32
      %broadcast_in_dim3A_168 = vector.broadcast %broadcast_in_dim3A_167 : i32 to vector<16xi32>
      %broadcast_in_dim3A_169 = arith.constant 8 : i32
      %broadcast_in_dim3A_170 = vector.broadcast %broadcast_in_dim3A_169 : i32 to vector<16xi32>
      %select_n3A_171 = arith.select %eq3A_166, %broadcast_in_dim3A_168, %broadcast_in_dim3A_170 : vector<16xi1>, vector<16xi32>
      %eq3A_172 = arith.cmpf oeq, %select_n3A_124, %max3A_135 : vector<16xf32>
      %broadcast_in_dim3A_173 = arith.constant 6 : i32
      %broadcast_in_dim3A_174 = vector.broadcast %broadcast_in_dim3A_173 : i32 to vector<16xi32>
      %broadcast_in_dim3A_175 = arith.constant 8 : i32
      %broadcast_in_dim3A_176 = vector.broadcast %broadcast_in_dim3A_175 : i32 to vector<16xi32>
      %select_n3A_177 = arith.select %eq3A_172, %broadcast_in_dim3A_174, %broadcast_in_dim3A_176 : vector<16xi1>, vector<16xi32>
      %eq3A_178 = arith.cmpf oeq, %select_n3A_128, %max3A_135 : vector<16xf32>
      %broadcast_in_dim3A_179 = arith.constant 7 : i32
      %broadcast_in_dim3A_180 = vector.broadcast %broadcast_in_dim3A_179 : i32 to vector<16xi32>
      %broadcast_in_dim3A_181 = arith.constant 8 : i32
      %broadcast_in_dim3A_182 = vector.broadcast %broadcast_in_dim3A_181 : i32 to vector<16xi32>
      %select_n3A_183 = arith.select %eq3A_178, %broadcast_in_dim3A_180, %broadcast_in_dim3A_182 : vector<16xi1>, vector<16xi32>
      %min3A_184 = arith.minsi %select_n3A_141, %select_n3A_147 : vector<16xi32>
      %min3A_185 = arith.minsi %select_n3A_153, %select_n3A_159 : vector<16xi32>
      %min3A_186 = arith.minsi %select_n3A_165, %select_n3A_171 : vector<16xi32>
      %min3A_187 = arith.minsi %select_n3A_177, %select_n3A_183 : vector<16xi32>
      %min3A_188 = arith.minsi %min3A_184, %min3A_185 : vector<16xi32>
      %min3A_189 = arith.minsi %min3A_186, %min3A_187 : vector<16xi32>
      %min3A_190 = arith.minsi %min3A_188, %min3A_189 : vector<16xi32>
      %eq3A_191 = arith.constant 0 : i32
      %eq3A_192 = vector.broadcast %eq3A_191 : i32 to vector<16xi32>
      %eq3A_193 = arith.cmpi eq, %min3A_190, %eq3A_192 : vector<16xi32>
      %select_n3A_194 = arith.select %eq3A_193, %broadcast_in_dim3A_3, %select_n3A_100 : vector<16xi1>, vector<16xf32>
      %eq3A_195 = arith.constant 1 : i32
      %eq3A_196 = vector.broadcast %eq3A_195 : i32 to vector<16xi32>
      %eq3A_197 = arith.cmpi eq, %min3A_190, %eq3A_196 : vector<16xi32>
      %select_n3A_198 = arith.select %eq3A_197, %broadcast_in_dim3A_3, %select_n3A_104 : vector<16xi1>, vector<16xf32>
      %eq3A_199 = arith.constant 2 : i32
      %eq3A_200 = vector.broadcast %eq3A_199 : i32 to vector<16xi32>
      %eq3A_201 = arith.cmpi eq, %min3A_190, %eq3A_200 : vector<16xi32>
      %select_n3A_202 = arith.select %eq3A_201, %broadcast_in_dim3A_3, %select_n3A_108 : vector<16xi1>, vector<16xf32>
      %eq3A_203 = arith.constant 3 : i32
      %eq3A_204 = vector.broadcast %eq3A_203 : i32 to vector<16xi32>
      %eq3A_205 = arith.cmpi eq, %min3A_190, %eq3A_204 : vector<16xi32>
      %select_n3A_206 = arith.select %eq3A_205, %broadcast_in_dim3A_3, %select_n3A_112 : vector<16xi1>, vector<16xf32>
      %eq3A_207 = arith.constant 4 : i32
      %eq3A_208 = vector.broadcast %eq3A_207 : i32 to vector<16xi32>
      %eq3A_209 = arith.cmpi eq, %min3A_190, %eq3A_208 : vector<16xi32>
      %select_n3A_210 = arith.select %eq3A_209, %broadcast_in_dim3A_3, %select_n3A_116 : vector<16xi1>, vector<16xf32>
      %eq3A_211 = arith.constant 5 : i32
      %eq3A_212 = vector.broadcast %eq3A_211 : i32 to vector<16xi32>
      %eq3A_213 = arith.cmpi eq, %min3A_190, %eq3A_212 : vector<16xi32>
      %select_n3A_214 = arith.select %eq3A_213, %broadcast_in_dim3A_3, %select_n3A_120 : vector<16xi1>, vector<16xf32>
      %eq3A_215 = arith.constant 6 : i32
      %eq3A_216 = vector.broadcast %eq3A_215 : i32 to vector<16xi32>
      %eq3A_217 = arith.cmpi eq, %min3A_190, %eq3A_216 : vector<16xi32>
      %select_n3A_218 = arith.select %eq3A_217, %broadcast_in_dim3A_3, %select_n3A_124 : vector<16xi1>, vector<16xf32>
      %eq3A_219 = arith.constant 7 : i32
      %eq3A_220 = vector.broadcast %eq3A_219 : i32 to vector<16xi32>
      %eq3A_221 = arith.cmpi eq, %min3A_190, %eq3A_220 : vector<16xi32>
      %select_n3A_222 = arith.select %eq3A_221, %broadcast_in_dim3A_3, %select_n3A_128 : vector<16xi1>, vector<16xf32>
      %max3A_223 = arith.maximumf %select_n3A_194, %select_n3A_198 : vector<16xf32>
      %max3A_224 = arith.maximumf %select_n3A_202, %select_n3A_206 : vector<16xf32>
      %max3A_225 = arith.maximumf %select_n3A_210, %select_n3A_214 : vector<16xf32>
      %max3A_226 = arith.maximumf %select_n3A_218, %select_n3A_222 : vector<16xf32>
      %max3A_227 = arith.maximumf %max3A_223, %max3A_224 : vector<16xf32>
      %max3A_228 = arith.maximumf %max3A_225, %max3A_226 : vector<16xf32>
      %max3A_229 = arith.maximumf %max3A_227, %max3A_228 : vector<16xf32>
      %eq3A_230 = arith.cmpf oeq, %select_n3A_194, %max3A_229 : vector<16xf32>
      %broadcast_in_dim3A_231 = arith.constant 0 : i32
      %broadcast_in_dim3A_232 = vector.broadcast %broadcast_in_dim3A_231 : i32 to vector<16xi32>
      %broadcast_in_dim3A_233 = arith.constant 8 : i32
      %broadcast_in_dim3A_234 = vector.broadcast %broadcast_in_dim3A_233 : i32 to vector<16xi32>
      %select_n3A_235 = arith.select %eq3A_230, %broadcast_in_dim3A_232, %broadcast_in_dim3A_234 : vector<16xi1>, vector<16xi32>
      %eq3A_236 = arith.cmpf oeq, %select_n3A_198, %max3A_229 : vector<16xf32>
      %broadcast_in_dim3A_237 = arith.constant 1 : i32
      %broadcast_in_dim3A_238 = vector.broadcast %broadcast_in_dim3A_237 : i32 to vector<16xi32>
      %broadcast_in_dim3A_239 = arith.constant 8 : i32
      %broadcast_in_dim3A_240 = vector.broadcast %broadcast_in_dim3A_239 : i32 to vector<16xi32>
      %select_n3A_241 = arith.select %eq3A_236, %broadcast_in_dim3A_238, %broadcast_in_dim3A_240 : vector<16xi1>, vector<16xi32>
      %eq3A_242 = arith.cmpf oeq, %select_n3A_202, %max3A_229 : vector<16xf32>
      %broadcast_in_dim3A_243 = arith.constant 2 : i32
      %broadcast_in_dim3A_244 = vector.broadcast %broadcast_in_dim3A_243 : i32 to vector<16xi32>
      %broadcast_in_dim3A_245 = arith.constant 8 : i32
      %broadcast_in_dim3A_246 = vector.broadcast %broadcast_in_dim3A_245 : i32 to vector<16xi32>
      %select_n3A_247 = arith.select %eq3A_242, %broadcast_in_dim3A_244, %broadcast_in_dim3A_246 : vector<16xi1>, vector<16xi32>
      %eq3A_248 = arith.cmpf oeq, %select_n3A_206, %max3A_229 : vector<16xf32>
      %broadcast_in_dim3A_249 = arith.constant 3 : i32
      %broadcast_in_dim3A_250 = vector.broadcast %broadcast_in_dim3A_249 : i32 to vector<16xi32>
      %broadcast_in_dim3A_251 = arith.constant 8 : i32
      %broadcast_in_dim3A_252 = vector.broadcast %broadcast_in_dim3A_251 : i32 to vector<16xi32>
      %select_n3A_253 = arith.select %eq3A_248, %broadcast_in_dim3A_250, %broadcast_in_dim3A_252 : vector<16xi1>, vector<16xi32>
      %eq3A_254 = arith.cmpf oeq, %select_n3A_210, %max3A_229 : vector<16xf32>
      %broadcast_in_dim3A_255 = arith.constant 4 : i32
      %broadcast_in_dim3A_256 = vector.broadcast %broadcast_in_dim3A_255 : i32 to vector<16xi32>
      %broadcast_in_dim3A_257 = arith.constant 8 : i32
      %broadcast_in_dim3A_258 = vector.broadcast %broadcast_in_dim3A_257 : i32 to vector<16xi32>
      %select_n3A_259 = arith.select %eq3A_254, %broadcast_in_dim3A_256, %broadcast_in_dim3A_258 : vector<16xi1>, vector<16xi32>
      %eq3A_260 = arith.cmpf oeq, %select_n3A_214, %max3A_229 : vector<16xf32>
      %broadcast_in_dim3A_261 = arith.constant 5 : i32
      %broadcast_in_dim3A_262 = vector.broadcast %broadcast_in_dim3A_261 : i32 to vector<16xi32>
      %broadcast_in_dim3A_263 = arith.constant 8 : i32
      %broadcast_in_dim3A_264 = vector.broadcast %broadcast_in_dim3A_263 : i32 to vector<16xi32>
      %select_n3A_265 = arith.select %eq3A_260, %broadcast_in_dim3A_262, %broadcast_in_dim3A_264 : vector<16xi1>, vector<16xi32>
      %eq3A_266 = arith.cmpf oeq, %select_n3A_218, %max3A_229 : vector<16xf32>
      %broadcast_in_dim3A_267 = arith.constant 6 : i32
      %broadcast_in_dim3A_268 = vector.broadcast %broadcast_in_dim3A_267 : i32 to vector<16xi32>
      %broadcast_in_dim3A_269 = arith.constant 8 : i32
      %broadcast_in_dim3A_270 = vector.broadcast %broadcast_in_dim3A_269 : i32 to vector<16xi32>
      %select_n3A_271 = arith.select %eq3A_266, %broadcast_in_dim3A_268, %broadcast_in_dim3A_270 : vector<16xi1>, vector<16xi32>
      %eq3A_272 = arith.cmpf oeq, %select_n3A_222, %max3A_229 : vector<16xf32>
      %broadcast_in_dim3A_273 = arith.constant 7 : i32
      %broadcast_in_dim3A_274 = vector.broadcast %broadcast_in_dim3A_273 : i32 to vector<16xi32>
      %broadcast_in_dim3A_275 = arith.constant 8 : i32
      %broadcast_in_dim3A_276 = vector.broadcast %broadcast_in_dim3A_275 : i32 to vector<16xi32>
      %select_n3A_277 = arith.select %eq3A_272, %broadcast_in_dim3A_274, %broadcast_in_dim3A_276 : vector<16xi1>, vector<16xi32>
      %min3A_278 = arith.minsi %select_n3A_235, %select_n3A_241 : vector<16xi32>
      %min3A_279 = arith.minsi %select_n3A_247, %select_n3A_253 : vector<16xi32>
      %min3A_280 = arith.minsi %select_n3A_259, %select_n3A_265 : vector<16xi32>
      %min3A_281 = arith.minsi %select_n3A_271, %select_n3A_277 : vector<16xi32>
      %min3A_282 = arith.minsi %min3A_278, %min3A_279 : vector<16xi32>
      %min3A_283 = arith.minsi %min3A_280, %min3A_281 : vector<16xi32>
      %min3A_284 = arith.minsi %min3A_282, %min3A_283 : vector<16xi32>
      %eq3A_285 = arith.constant 0 : i32
      %eq3A_286 = vector.broadcast %eq3A_285 : i32 to vector<16xi32>
      %eq3A_287 = arith.cmpi eq, %min3A_284, %eq3A_286 : vector<16xi32>
      %select_n3A_288 = arith.select %eq3A_287, %broadcast_in_dim3A_3, %select_n3A_194 : vector<16xi1>, vector<16xf32>
      %eq3A_289 = arith.constant 1 : i32
      %eq3A_290 = vector.broadcast %eq3A_289 : i32 to vector<16xi32>
      %eq3A_291 = arith.cmpi eq, %min3A_284, %eq3A_290 : vector<16xi32>
      %select_n3A_292 = arith.select %eq3A_291, %broadcast_in_dim3A_3, %select_n3A_198 : vector<16xi1>, vector<16xf32>
      %eq3A_293 = arith.constant 2 : i32
      %eq3A_294 = vector.broadcast %eq3A_293 : i32 to vector<16xi32>
      %eq3A_295 = arith.cmpi eq, %min3A_284, %eq3A_294 : vector<16xi32>
      %select_n3A_296 = arith.select %eq3A_295, %broadcast_in_dim3A_3, %select_n3A_202 : vector<16xi1>, vector<16xf32>
      %eq3A_297 = arith.constant 3 : i32
      %eq3A_298 = vector.broadcast %eq3A_297 : i32 to vector<16xi32>
      %eq3A_299 = arith.cmpi eq, %min3A_284, %eq3A_298 : vector<16xi32>
      %select_n3A_300 = arith.select %eq3A_299, %broadcast_in_dim3A_3, %select_n3A_206 : vector<16xi1>, vector<16xf32>
      %eq3A_301 = arith.constant 4 : i32
      %eq3A_302 = vector.broadcast %eq3A_301 : i32 to vector<16xi32>
      %eq3A_303 = arith.cmpi eq, %min3A_284, %eq3A_302 : vector<16xi32>
      %select_n3A_304 = arith.select %eq3A_303, %broadcast_in_dim3A_3, %select_n3A_210 : vector<16xi1>, vector<16xf32>
      %eq3A_305 = arith.constant 5 : i32
      %eq3A_306 = vector.broadcast %eq3A_305 : i32 to vector<16xi32>
      %eq3A_307 = arith.cmpi eq, %min3A_284, %eq3A_306 : vector<16xi32>
      %select_n3A_308 = arith.select %eq3A_307, %broadcast_in_dim3A_3, %select_n3A_214 : vector<16xi1>, vector<16xf32>
      %eq3A_309 = arith.constant 6 : i32
      %eq3A_310 = vector.broadcast %eq3A_309 : i32 to vector<16xi32>
      %eq3A_311 = arith.cmpi eq, %min3A_284, %eq3A_310 : vector<16xi32>
      %select_n3A_312 = arith.select %eq3A_311, %broadcast_in_dim3A_3, %select_n3A_218 : vector<16xi1>, vector<16xf32>
      %eq3A_313 = arith.constant 7 : i32
      %eq3A_314 = vector.broadcast %eq3A_313 : i32 to vector<16xi32>
      %eq3A_315 = arith.cmpi eq, %min3A_284, %eq3A_314 : vector<16xi32>
      %select_n3A_316 = arith.select %eq3A_315, %broadcast_in_dim3A_3, %select_n3A_222 : vector<16xi1>, vector<16xf32>
      %mul3A_317 = arith.constant 8 : i32
      %mul3A_318 = vector.broadcast %mul3A_317 : i32 to vector<16xi32>
      %mul3A_319 = arith.muli %min3A_96, %mul3A_318 : vector<16xi32>
      %add3A_320 = arith.constant 0 : i32
      %add3A_321 = vector.broadcast %add3A_320 : i32 to vector<16xi32>
      %add3A_322 = arith.addi %mul3A_319, %add3A_321 : vector<16xi32>
      %gather3A_323 = tpu.vector_load_idx %arg5[%add3A_15, %add3A_322] : memref<256x64xf32, #tpu.memory_space<vmem>>[vector<16xi32>, vector<16xi32>], vector<16xf32>,
      %mul3A_324 = arith.constant 8 : i32
      %mul3A_325 = vector.broadcast %mul3A_324 : i32 to vector<16xi32>
      %mul3A_326 = arith.muli %min3A_96, %mul3A_325 : vector<16xi32>
      %add3A_327 = arith.constant 1 : i32
      %add3A_328 = vector.broadcast %add3A_327 : i32 to vector<16xi32>
      %add3A_329 = arith.addi %mul3A_326, %add3A_328 : vector<16xi32>
      %gather3A_330 = tpu.vector_load_idx %arg5[%add3A_15, %add3A_329] : memref<256x64xf32, #tpu.memory_space<vmem>>[vector<16xi32>, vector<16xi32>], vector<16xf32>,
      %mul3A_331 = arith.constant 8 : i32
      %mul3A_332 = vector.broadcast %mul3A_331 : i32 to vector<16xi32>
      %mul3A_333 = arith.muli %min3A_96, %mul3A_332 : vector<16xi32>
      %add3A_334 = arith.constant 2 : i32
      %add3A_335 = vector.broadcast %add3A_334 : i32 to vector<16xi32>
      %add3A_336 = arith.addi %mul3A_333, %add3A_335 : vector<16xi32>
      %gather3A_337 = tpu.vector_load_idx %arg5[%add3A_15, %add3A_336] : memref<256x64xf32, #tpu.memory_space<vmem>>[vector<16xi32>, vector<16xi32>], vector<16xf32>,
      %mul3A_338 = arith.constant 8 : i32
      %mul3A_339 = vector.broadcast %mul3A_338 : i32 to vector<16xi32>
      %mul3A_340 = arith.muli %min3A_96, %mul3A_339 : vector<16xi32>
      %add3A_341 = arith.constant 3 : i32
      %add3A_342 = vector.broadcast %add3A_341 : i32 to vector<16xi32>
      %add3A_343 = arith.addi %mul3A_340, %add3A_342 : vector<16xi32>
      %gather3A_344 = tpu.vector_load_idx %arg5[%add3A_15, %add3A_343] : memref<256x64xf32, #tpu.memory_space<vmem>>[vector<16xi32>, vector<16xi32>], vector<16xf32>,
      %mul3A_345 = arith.constant 8 : i32
      %mul3A_346 = vector.broadcast %mul3A_345 : i32 to vector<16xi32>
      %mul3A_347 = arith.muli %min3A_96, %mul3A_346 : vector<16xi32>
      %add3A_348 = arith.constant 4 : i32
      %add3A_349 = vector.broadcast %add3A_348 : i32 to vector<16xi32>
      %add3A_350 = arith.addi %mul3A_347, %add3A_349 : vector<16xi32>
      %gather3A_351 = tpu.vector_load_idx %arg5[%add3A_15, %add3A_350] : memref<256x64xf32, #tpu.memory_space<vmem>>[vector<16xi32>, vector<16xi32>], vector<16xf32>,
      %mul3A_352 = arith.constant 8 : i32
      %mul3A_353 = vector.broadcast %mul3A_352 : i32 to vector<16xi32>
      %mul3A_354 = arith.muli %min3A_96, %mul3A_353 : vector<16xi32>
      %add3A_355 = arith.constant 5 : i32
      %add3A_356 = vector.broadcast %add3A_355 : i32 to vector<16xi32>
      %add3A_357 = arith.addi %mul3A_354, %add3A_356 : vector<16xi32>
      %gather3A_358 = tpu.vector_load_idx %arg5[%add3A_15, %add3A_357] : memref<256x64xf32, #tpu.memory_space<vmem>>[vector<16xi32>, vector<16xi32>], vector<16xf32>,
      %mul3A_359 = arith.constant 8 : i32
      %mul3A_360 = vector.broadcast %mul3A_359 : i32 to vector<16xi32>
      %mul3A_361 = arith.muli %min3A_96, %mul3A_360 : vector<16xi32>
      %add3A_362 = arith.constant 6 : i32
      %add3A_363 = vector.broadcast %add3A_362 : i32 to vector<16xi32>
      %add3A_364 = arith.addi %mul3A_361, %add3A_363 : vector<16xi32>
      %gather3A_365 = tpu.vector_load_idx %arg5[%add3A_15, %add3A_364] : memref<256x64xf32, #tpu.memory_space<vmem>>[vector<16xi32>, vector<16xi32>], vector<16xf32>,
      %mul3A_366 = arith.constant 8 : i32
      %mul3A_367 = vector.broadcast %mul3A_366 : i32 to vector<16xi32>
      %mul3A_368 = arith.muli %min3A_96, %mul3A_367 : vector<16xi32>
      %add3A_369 = arith.constant 7 : i32
      %add3A_370 = vector.broadcast %add3A_369 : i32 to vector<16xi32>
      %add3A_371 = arith.addi %mul3A_368, %add3A_370 : vector<16xi32>
      %gather3A_372 = tpu.vector_load_idx %arg5[%add3A_15, %add3A_371] : memref<256x64xf32, #tpu.memory_space<vmem>>[vector<16xi32>, vector<16xi32>], vector<16xf32>,
      %mul3A_373 = arith.constant 8 : i32
      %mul3A_374 = vector.broadcast %mul3A_373 : i32 to vector<16xi32>
      %mul3A_375 = arith.muli %min3A_190, %mul3A_374 : vector<16xi32>
      %add3A_376 = arith.constant 0 : i32
      %add3A_377 = vector.broadcast %add3A_376 : i32 to vector<16xi32>
      %add3A_378 = arith.addi %mul3A_375, %add3A_377 : vector<16xi32>
      %gather3A_379 = tpu.vector_load_idx %arg5[%add3A_15, %add3A_378] : memref<256x64xf32, #tpu.memory_space<vmem>>[vector<16xi32>, vector<16xi32>], vector<16xf32>,
      %mul3A_380 = arith.constant 8 : i32
      %mul3A_381 = vector.broadcast %mul3A_380 : i32 to vector<16xi32>
      %mul3A_382 = arith.muli %min3A_190, %mul3A_381 : vector<16xi32>
      %add3A_383 = arith.constant 1 : i32
      %add3A_384 = vector.broadcast %add3A_383 : i32 to vector<16xi32>
      %add3A_385 = arith.addi %mul3A_382, %add3A_384 : vector<16xi32>
      %gather3A_386 = tpu.vector_load_idx %arg5[%add3A_15, %add3A_385] : memref<256x64xf32, #tpu.memory_space<vmem>>[vector<16xi32>, vector<16xi32>], vector<16xf32>,
      %mul3A_387 = arith.constant 8 : i32
      %mul3A_388 = vector.broadcast %mul3A_387 : i32 to vector<16xi32>
      %mul3A_389 = arith.muli %min3A_190, %mul3A_388 : vector<16xi32>
      %add3A_390 = arith.constant 2 : i32
      %add3A_391 = vector.broadcast %add3A_390 : i32 to vector<16xi32>
      %add3A_392 = arith.addi %mul3A_389, %add3A_391 : vector<16xi32>
      %gather3A_393 = tpu.vector_load_idx %arg5[%add3A_15, %add3A_392] : memref<256x64xf32, #tpu.memory_space<vmem>>[vector<16xi32>, vector<16xi32>], vector<16xf32>,
      %mul3A_394 = arith.constant 8 : i32
      %mul3A_395 = vector.broadcast %mul3A_394 : i32 to vector<16xi32>
      %mul3A_396 = arith.muli %min3A_190, %mul3A_395 : vector<16xi32>
      %add3A_397 = arith.constant 3 : i32
      %add3A_398 = vector.broadcast %add3A_397 : i32 to vector<16xi32>
      %add3A_399 = arith.addi %mul3A_396, %add3A_398 : vector<16xi32>
      %gather3A_400 = tpu.vector_load_idx %arg5[%add3A_15, %add3A_399] : memref<256x64xf32, #tpu.memory_space<vmem>>[vector<16xi32>, vector<16xi32>], vector<16xf32>,
      %mul3A_401 = arith.constant 8 : i32
      %mul3A_402 = vector.broadcast %mul3A_401 : i32 to vector<16xi32>
      %mul3A_403 = arith.muli %min3A_190, %mul3A_402 : vector<16xi32>
      %add3A_404 = arith.constant 4 : i32
      %add3A_405 = vector.broadcast %add3A_404 : i32 to vector<16xi32>
      %add3A_406 = arith.addi %mul3A_403, %add3A_405 : vector<16xi32>
      %gather3A_407 = tpu.vector_load_idx %arg5[%add3A_15, %add3A_406] : memref<256x64xf32, #tpu.memory_space<vmem>>[vector<16xi32>, vector<16xi32>], vector<16xf32>,
      %mul3A_408 = arith.constant 8 : i32
      %mul3A_409 = vector.broadcast %mul3A_408 : i32 to vector<16xi32>
      %mul3A_410 = arith.muli %min3A_190, %mul3A_409 : vector<16xi32>
      %add3A_411 = arith.constant 5 : i32
      %add3A_412 = vector.broadcast %add3A_411 : i32 to vector<16xi32>
      %add3A_413 = arith.addi %mul3A_410, %add3A_412 : vector<16xi32>
      %gather3A_414 = tpu.vector_load_idx %arg5[%add3A_15, %add3A_413] : memref<256x64xf32, #tpu.memory_space<vmem>>[vector<16xi32>, vector<16xi32>], vector<16xf32>,
      %mul3A_415 = arith.constant 8 : i32
      %mul3A_416 = vector.broadcast %mul3A_415 : i32 to vector<16xi32>
      %mul3A_417 = arith.muli %min3A_190, %mul3A_416 : vector<16xi32>
      %add3A_418 = arith.constant 6 : i32
      %add3A_419 = vector.broadcast %add3A_418 : i32 to vector<16xi32>
      %add3A_420 = arith.addi %mul3A_417, %add3A_419 : vector<16xi32>
      %gather3A_421 = tpu.vector_load_idx %arg5[%add3A_15, %add3A_420] : memref<256x64xf32, #tpu.memory_space<vmem>>[vector<16xi32>, vector<16xi32>], vector<16xf32>,
      %mul3A_422 = arith.constant 8 : i32
      %mul3A_423 = vector.broadcast %mul3A_422 : i32 to vector<16xi32>
      %mul3A_424 = arith.muli %min3A_190, %mul3A_423 : vector<16xi32>
      %add3A_425 = arith.constant 7 : i32
      %add3A_426 = vector.broadcast %add3A_425 : i32 to vector<16xi32>
      %add3A_427 = arith.addi %mul3A_424, %add3A_426 : vector<16xi32>
      %gather3A_428 = tpu.vector_load_idx %arg5[%add3A_15, %add3A_427] : memref<256x64xf32, #tpu.memory_space<vmem>>[vector<16xi32>, vector<16xi32>], vector<16xf32>,
      %mul3A_429 = arith.constant 8 : i32
      %mul3A_430 = vector.broadcast %mul3A_429 : i32 to vector<16xi32>
      %mul3A_431 = arith.muli %min3A_284, %mul3A_430 : vector<16xi32>
      %add3A_432 = arith.constant 0 : i32
      %add3A_433 = vector.broadcast %add3A_432 : i32 to vector<16xi32>
      %add3A_434 = arith.addi %mul3A_431, %add3A_433 : vector<16xi32>
      %gather3A_435 = tpu.vector_load_idx %arg5[%add3A_15, %add3A_434] : memref<256x64xf32, #tpu.memory_space<vmem>>[vector<16xi32>, vector<16xi32>], vector<16xf32>,
      %mul3A_436 = arith.constant 8 : i32
      %mul3A_437 = vector.broadcast %mul3A_436 : i32 to vector<16xi32>
      %mul3A_438 = arith.muli %min3A_284, %mul3A_437 : vector<16xi32>
      %add3A_439 = arith.constant 1 : i32
      %add3A_440 = vector.broadcast %add3A_439 : i32 to vector<16xi32>
      %add3A_441 = arith.addi %mul3A_438, %add3A_440 : vector<16xi32>
      %gather3A_442 = tpu.vector_load_idx %arg5[%add3A_15, %add3A_441] : memref<256x64xf32, #tpu.memory_space<vmem>>[vector<16xi32>, vector<16xi32>], vector<16xf32>,
      %mul3A_443 = arith.constant 8 : i32
      %mul3A_444 = vector.broadcast %mul3A_443 : i32 to vector<16xi32>
      %mul3A_445 = arith.muli %min3A_284, %mul3A_444 : vector<16xi32>
      %add3A_446 = arith.constant 2 : i32
      %add3A_447 = vector.broadcast %add3A_446 : i32 to vector<16xi32>
      %add3A_448 = arith.addi %mul3A_445, %add3A_447 : vector<16xi32>
      %gather3A_449 = tpu.vector_load_idx %arg5[%add3A_15, %add3A_448] : memref<256x64xf32, #tpu.memory_space<vmem>>[vector<16xi32>, vector<16xi32>], vector<16xf32>,
      %mul3A_450 = arith.constant 8 : i32
      %mul3A_451 = vector.broadcast %mul3A_450 : i32 to vector<16xi32>
      %mul3A_452 = arith.muli %min3A_284, %mul3A_451 : vector<16xi32>
      %add3A_453 = arith.constant 3 : i32
      %add3A_454 = vector.broadcast %add3A_453 : i32 to vector<16xi32>
      %add3A_455 = arith.addi %mul3A_452, %add3A_454 : vector<16xi32>
      %gather3A_456 = tpu.vector_load_idx %arg5[%add3A_15, %add3A_455] : memref<256x64xf32, #tpu.memory_space<vmem>>[vector<16xi32>, vector<16xi32>], vector<16xf32>,
      %mul3A_457 = arith.constant 8 : i32
      %mul3A_458 = vector.broadcast %mul3A_457 : i32 to vector<16xi32>
      %mul3A_459 = arith.muli %min3A_284, %mul3A_458 : vector<16xi32>
      %add3A_460 = arith.constant 4 : i32
      %add3A_461 = vector.broadcast %add3A_460 : i32 to vector<16xi32>
      %add3A_462 = arith.addi %mul3A_459, %add3A_461 : vector<16xi32>
      %gather3A_463 = tpu.vector_load_idx %arg5[%add3A_15, %add3A_462] : memref<256x64xf32, #tpu.memory_space<vmem>>[vector<16xi32>, vector<16xi32>], vector<16xf32>,
      %mul3A_464 = arith.constant 8 : i32
      %mul3A_465 = vector.broadcast %mul3A_464 : i32 to vector<16xi32>
      %mul3A_466 = arith.muli %min3A_284, %mul3A_465 : vector<16xi32>
      %add3A_467 = arith.constant 5 : i32
      %add3A_468 = vector.broadcast %add3A_467 : i32 to vector<16xi32>
      %add3A_469 = arith.addi %mul3A_466, %add3A_468 : vector<16xi32>
      %gather3A_470 = tpu.vector_load_idx %arg5[%add3A_15, %add3A_469] : memref<256x64xf32, #tpu.memory_space<vmem>>[vector<16xi32>, vector<16xi32>], vector<16xf32>,
      %mul3A_471 = arith.constant 8 : i32
      %mul3A_472 = vector.broadcast %mul3A_471 : i32 to vector<16xi32>
      %mul3A_473 = arith.muli %min3A_284, %mul3A_472 : vector<16xi32>
      %add3A_474 = arith.constant 6 : i32
      %add3A_475 = vector.broadcast %add3A_474 : i32 to vector<16xi32>
      %add3A_476 = arith.addi %mul3A_473, %add3A_475 : vector<16xi32>
      %gather3A_477 = tpu.vector_load_idx %arg5[%add3A_15, %add3A_476] : memref<256x64xf32, #tpu.memory_space<vmem>>[vector<16xi32>, vector<16xi32>], vector<16xf32>,
      %mul3A_478 = arith.constant 8 : i32
      %mul3A_479 = vector.broadcast %mul3A_478 : i32 to vector<16xi32>
      %mul3A_480 = arith.muli %min3A_284, %mul3A_479 : vector<16xi32>
      %add3A_481 = arith.constant 7 : i32
      %add3A_482 = vector.broadcast %add3A_481 : i32 to vector<16xi32>
      %add3A_483 = arith.addi %mul3A_480, %add3A_482 : vector<16xi32>
      %gather3A_484 = tpu.vector_load_idx %arg5[%add3A_15, %add3A_483] : memref<256x64xf32, #tpu.memory_space<vmem>>[vector<16xi32>, vector<16xi32>], vector<16xf32>,
      %bitcast_convert_type3A = tpu.bitcast %gather3A_323 : vector<16xf32> -> vector<16xi32>
      %broadcast_in_dim3A_485 = arith.constant 31 : i32
      %broadcast_in_dim3A_486 = vector.broadcast %broadcast_in_dim3A_485 : i32 to vector<16xi32>
      %shift_right_arithmetic3A = arith.shrsi %bitcast_convert_type3A, %broadcast_in_dim3A_486 : vector<16xi32>
      %broadcast_in_dim3A_487 = arith.constant 2147483647 : i32
      %broadcast_in_dim3A_488 = vector.broadcast %broadcast_in_dim3A_487 : i32 to vector<16xi32>
      %and3A = arith.andi %shift_right_arithmetic3A, %broadcast_in_dim3A_488 : vector<16xi32>
      %xor3A = arith.xori %bitcast_convert_type3A, %and3A : vector<16xi32>
      %broadcast_in_dim3A_489 = arith.constant -32 : i32
      %broadcast_in_dim3A_490 = vector.broadcast %broadcast_in_dim3A_489 : i32 to vector<16xi32>
      %and3A_491 = arith.andi %xor3A, %broadcast_in_dim3A_490 : vector<16xi32>
      %broadcast_in_dim3A_492 = arith.constant 0 : i32
      %broadcast_in_dim3A_493 = vector.broadcast %broadcast_in_dim3A_492 : i32 to vector<16xi32>
      %or3A = arith.ori %and3A_491, %broadcast_in_dim3A_493 : vector<16xi32>
      %bitcast_convert_type3A_494 = tpu.bitcast %gather3A_330 : vector<16xf32> -> vector<16xi32>
      %broadcast_in_dim3A_495 = arith.constant 31 : i32
      %broadcast_in_dim3A_496 = vector.broadcast %broadcast_in_dim3A_495 : i32 to vector<16xi32>
      %shift_right_arithmetic3A_497 = arith.shrsi %bitcast_convert_type3A_494, %broadcast_in_dim3A_496 : vector<16xi32>
      %broadcast_in_dim3A_498 = arith.constant 2147483647 : i32
      %broadcast_in_dim3A_499 = vector.broadcast %broadcast_in_dim3A_498 : i32 to vector<16xi32>
      %and3A_500 = arith.andi %shift_right_arithmetic3A_497, %broadcast_in_dim3A_499 : vector<16xi32>
      %xor3A_501 = arith.xori %bitcast_convert_type3A_494, %and3A_500 : vector<16xi32>
      %broadcast_in_dim3A_502 = arith.constant -32 : i32
      %broadcast_in_dim3A_503 = vector.broadcast %broadcast_in_dim3A_502 : i32 to vector<16xi32>
      %and3A_504 = arith.andi %xor3A_501, %broadcast_in_dim3A_503 : vector<16xi32>
      %broadcast_in_dim3A_505 = arith.constant 1 : i32
      %broadcast_in_dim3A_506 = vector.broadcast %broadcast_in_dim3A_505 : i32 to vector<16xi32>
      %or3A_507 = arith.ori %and3A_504, %broadcast_in_dim3A_506 : vector<16xi32>
      %bitcast_convert_type3A_508 = tpu.bitcast %gather3A_337 : vector<16xf32> -> vector<16xi32>
      %broadcast_in_dim3A_509 = arith.constant 31 : i32
      %broadcast_in_dim3A_510 = vector.broadcast %broadcast_in_dim3A_509 : i32 to vector<16xi32>
      %shift_right_arithmetic3A_511 = arith.shrsi %bitcast_convert_type3A_508, %broadcast_in_dim3A_510 : vector<16xi32>
      %broadcast_in_dim3A_512 = arith.constant 2147483647 : i32
      %broadcast_in_dim3A_513 = vector.broadcast %broadcast_in_dim3A_512 : i32 to vector<16xi32>
      %and3A_514 = arith.andi %shift_right_arithmetic3A_511, %broadcast_in_dim3A_513 : vector<16xi32>
      %xor3A_515 = arith.xori %bitcast_convert_type3A_508, %and3A_514 : vector<16xi32>
      %broadcast_in_dim3A_516 = arith.constant -32 : i32
      %broadcast_in_dim3A_517 = vector.broadcast %broadcast_in_dim3A_516 : i32 to vector<16xi32>
      %and3A_518 = arith.andi %xor3A_515, %broadcast_in_dim3A_517 : vector<16xi32>
      %broadcast_in_dim3A_519 = arith.constant 2 : i32
      %broadcast_in_dim3A_520 = vector.broadcast %broadcast_in_dim3A_519 : i32 to vector<16xi32>
      %or3A_521 = arith.ori %and3A_518, %broadcast_in_dim3A_520 : vector<16xi32>
      %bitcast_convert_type3A_522 = tpu.bitcast %gather3A_344 : vector<16xf32> -> vector<16xi32>
      %broadcast_in_dim3A_523 = arith.constant 31 : i32
      %broadcast_in_dim3A_524 = vector.broadcast %broadcast_in_dim3A_523 : i32 to vector<16xi32>
      %shift_right_arithmetic3A_525 = arith.shrsi %bitcast_convert_type3A_522, %broadcast_in_dim3A_524 : vector<16xi32>
      %broadcast_in_dim3A_526 = arith.constant 2147483647 : i32
      %broadcast_in_dim3A_527 = vector.broadcast %broadcast_in_dim3A_526 : i32 to vector<16xi32>
      %and3A_528 = arith.andi %shift_right_arithmetic3A_525, %broadcast_in_dim3A_527 : vector<16xi32>
      %xor3A_529 = arith.xori %bitcast_convert_type3A_522, %and3A_528 : vector<16xi32>
      %broadcast_in_dim3A_530 = arith.constant -32 : i32
      %broadcast_in_dim3A_531 = vector.broadcast %broadcast_in_dim3A_530 : i32 to vector<16xi32>
      %and3A_532 = arith.andi %xor3A_529, %broadcast_in_dim3A_531 : vector<16xi32>
      %broadcast_in_dim3A_533 = arith.constant 3 : i32
      %broadcast_in_dim3A_534 = vector.broadcast %broadcast_in_dim3A_533 : i32 to vector<16xi32>
      %or3A_535 = arith.ori %and3A_532, %broadcast_in_dim3A_534 : vector<16xi32>
      %bitcast_convert_type3A_536 = tpu.bitcast %gather3A_351 : vector<16xf32> -> vector<16xi32>
      %broadcast_in_dim3A_537 = arith.constant 31 : i32
      %broadcast_in_dim3A_538 = vector.broadcast %broadcast_in_dim3A_537 : i32 to vector<16xi32>
      %shift_right_arithmetic3A_539 = arith.shrsi %bitcast_convert_type3A_536, %broadcast_in_dim3A_538 : vector<16xi32>
      %broadcast_in_dim3A_540 = arith.constant 2147483647 : i32
      %broadcast_in_dim3A_541 = vector.broadcast %broadcast_in_dim3A_540 : i32 to vector<16xi32>
      %and3A_542 = arith.andi %shift_right_arithmetic3A_539, %broadcast_in_dim3A_541 : vector<16xi32>
      %xor3A_543 = arith.xori %bitcast_convert_type3A_536, %and3A_542 : vector<16xi32>
      %broadcast_in_dim3A_544 = arith.constant -32 : i32
      %broadcast_in_dim3A_545 = vector.broadcast %broadcast_in_dim3A_544 : i32 to vector<16xi32>
      %and3A_546 = arith.andi %xor3A_543, %broadcast_in_dim3A_545 : vector<16xi32>
      %broadcast_in_dim3A_547 = arith.constant 4 : i32
      %broadcast_in_dim3A_548 = vector.broadcast %broadcast_in_dim3A_547 : i32 to vector<16xi32>
      %or3A_549 = arith.ori %and3A_546, %broadcast_in_dim3A_548 : vector<16xi32>
      %bitcast_convert_type3A_550 = tpu.bitcast %gather3A_358 : vector<16xf32> -> vector<16xi32>
      %broadcast_in_dim3A_551 = arith.constant 31 : i32
      %broadcast_in_dim3A_552 = vector.broadcast %broadcast_in_dim3A_551 : i32 to vector<16xi32>
      %shift_right_arithmetic3A_553 = arith.shrsi %bitcast_convert_type3A_550, %broadcast_in_dim3A_552 : vector<16xi32>
      %broadcast_in_dim3A_554 = arith.constant 2147483647 : i32
      %broadcast_in_dim3A_555 = vector.broadcast %broadcast_in_dim3A_554 : i32 to vector<16xi32>
      %and3A_556 = arith.andi %shift_right_arithmetic3A_553, %broadcast_in_dim3A_555 : vector<16xi32>
      %xor3A_557 = arith.xori %bitcast_convert_type3A_550, %and3A_556 : vector<16xi32>
      %broadcast_in_dim3A_558 = arith.constant -32 : i32
      %broadcast_in_dim3A_559 = vector.broadcast %broadcast_in_dim3A_558 : i32 to vector<16xi32>
      %and3A_560 = arith.andi %xor3A_557, %broadcast_in_dim3A_559 : vector<16xi32>
      %broadcast_in_dim3A_561 = arith.constant 5 : i32
      %broadcast_in_dim3A_562 = vector.broadcast %broadcast_in_dim3A_561 : i32 to vector<16xi32>
      %or3A_563 = arith.ori %and3A_560, %broadcast_in_dim3A_562 : vector<16xi32>
      %bitcast_convert_type3A_564 = tpu.bitcast %gather3A_365 : vector<16xf32> -> vector<16xi32>
      %broadcast_in_dim3A_565 = arith.constant 31 : i32
      %broadcast_in_dim3A_566 = vector.broadcast %broadcast_in_dim3A_565 : i32 to vector<16xi32>
      %shift_right_arithmetic3A_567 = arith.shrsi %bitcast_convert_type3A_564, %broadcast_in_dim3A_566 : vector<16xi32>
      %broadcast_in_dim3A_568 = arith.constant 2147483647 : i32
      %broadcast_in_dim3A_569 = vector.broadcast %broadcast_in_dim3A_568 : i32 to vector<16xi32>
      %and3A_570 = arith.andi %shift_right_arithmetic3A_567, %broadcast_in_dim3A_569 : vector<16xi32>
      %xor3A_571 = arith.xori %bitcast_convert_type3A_564, %and3A_570 : vector<16xi32>
      %broadcast_in_dim3A_572 = arith.constant -32 : i32
      %broadcast_in_dim3A_573 = vector.broadcast %broadcast_in_dim3A_572 : i32 to vector<16xi32>
      %and3A_574 = arith.andi %xor3A_571, %broadcast_in_dim3A_573 : vector<16xi32>
      %broadcast_in_dim3A_575 = arith.constant 6 : i32
      %broadcast_in_dim3A_576 = vector.broadcast %broadcast_in_dim3A_575 : i32 to vector<16xi32>
      %or3A_577 = arith.ori %and3A_574, %broadcast_in_dim3A_576 : vector<16xi32>
      %bitcast_convert_type3A_578 = tpu.bitcast %gather3A_372 : vector<16xf32> -> vector<16xi32>
      %broadcast_in_dim3A_579 = arith.constant 31 : i32
      %broadcast_in_dim3A_580 = vector.broadcast %broadcast_in_dim3A_579 : i32 to vector<16xi32>
      %shift_right_arithmetic3A_581 = arith.shrsi %bitcast_convert_type3A_578, %broadcast_in_dim3A_580 : vector<16xi32>
      %broadcast_in_dim3A_582 = arith.constant 2147483647 : i32
      %broadcast_in_dim3A_583 = vector.broadcast %broadcast_in_dim3A_582 : i32 to vector<16xi32>
      %and3A_584 = arith.andi %shift_right_arithmetic3A_581, %broadcast_in_dim3A_583 : vector<16xi32>
      %xor3A_585 = arith.xori %bitcast_convert_type3A_578, %and3A_584 : vector<16xi32>
      %broadcast_in_dim3A_586 = arith.constant -32 : i32
      %broadcast_in_dim3A_587 = vector.broadcast %broadcast_in_dim3A_586 : i32 to vector<16xi32>
      %and3A_588 = arith.andi %xor3A_585, %broadcast_in_dim3A_587 : vector<16xi32>
      %broadcast_in_dim3A_589 = arith.constant 7 : i32
      %broadcast_in_dim3A_590 = vector.broadcast %broadcast_in_dim3A_589 : i32 to vector<16xi32>
      %or3A_591 = arith.ori %and3A_588, %broadcast_in_dim3A_590 : vector<16xi32>
      %bitcast_convert_type3A_592 = tpu.bitcast %gather3A_379 : vector<16xf32> -> vector<16xi32>
      %broadcast_in_dim3A_593 = arith.constant 31 : i32
      %broadcast_in_dim3A_594 = vector.broadcast %broadcast_in_dim3A_593 : i32 to vector<16xi32>
      %shift_right_arithmetic3A_595 = arith.shrsi %bitcast_convert_type3A_592, %broadcast_in_dim3A_594 : vector<16xi32>
      %broadcast_in_dim3A_596 = arith.constant 2147483647 : i32
      %broadcast_in_dim3A_597 = vector.broadcast %broadcast_in_dim3A_596 : i32 to vector<16xi32>
      %and3A_598 = arith.andi %shift_right_arithmetic3A_595, %broadcast_in_dim3A_597 : vector<16xi32>
      %xor3A_599 = arith.xori %bitcast_convert_type3A_592, %and3A_598 : vector<16xi32>
      %broadcast_in_dim3A_600 = arith.constant -32 : i32
      %broadcast_in_dim3A_601 = vector.broadcast %broadcast_in_dim3A_600 : i32 to vector<16xi32>
      %and3A_602 = arith.andi %xor3A_599, %broadcast_in_dim3A_601 : vector<16xi32>
      %broadcast_in_dim3A_603 = arith.constant 8 : i32
      %broadcast_in_dim3A_604 = vector.broadcast %broadcast_in_dim3A_603 : i32 to vector<16xi32>
      %or3A_605 = arith.ori %and3A_602, %broadcast_in_dim3A_604 : vector<16xi32>
      %bitcast_convert_type3A_606 = tpu.bitcast %gather3A_386 : vector<16xf32> -> vector<16xi32>
      %broadcast_in_dim3A_607 = arith.constant 31 : i32
      %broadcast_in_dim3A_608 = vector.broadcast %broadcast_in_dim3A_607 : i32 to vector<16xi32>
      %shift_right_arithmetic3A_609 = arith.shrsi %bitcast_convert_type3A_606, %broadcast_in_dim3A_608 : vector<16xi32>
      %broadcast_in_dim3A_610 = arith.constant 2147483647 : i32
      %broadcast_in_dim3A_611 = vector.broadcast %broadcast_in_dim3A_610 : i32 to vector<16xi32>
      %and3A_612 = arith.andi %shift_right_arithmetic3A_609, %broadcast_in_dim3A_611 : vector<16xi32>
      %xor3A_613 = arith.xori %bitcast_convert_type3A_606, %and3A_612 : vector<16xi32>
      %broadcast_in_dim3A_614 = arith.constant -32 : i32
      %broadcast_in_dim3A_615 = vector.broadcast %broadcast_in_dim3A_614 : i32 to vector<16xi32>
      %and3A_616 = arith.andi %xor3A_613, %broadcast_in_dim3A_615 : vector<16xi32>
      %broadcast_in_dim3A_617 = arith.constant 9 : i32
      %broadcast_in_dim3A_618 = vector.broadcast %broadcast_in_dim3A_617 : i32 to vector<16xi32>
      %or3A_619 = arith.ori %and3A_616, %broadcast_in_dim3A_618 : vector<16xi32>
      %bitcast_convert_type3A_620 = tpu.bitcast %gather3A_393 : vector<16xf32> -> vector<16xi32>
      %broadcast_in_dim3A_621 = arith.constant 31 : i32
      %broadcast_in_dim3A_622 = vector.broadcast %broadcast_in_dim3A_621 : i32 to vector<16xi32>
      %shift_right_arithmetic3A_623 = arith.shrsi %bitcast_convert_type3A_620, %broadcast_in_dim3A_622 : vector<16xi32>
      %broadcast_in_dim3A_624 = arith.constant 2147483647 : i32
      %broadcast_in_dim3A_625 = vector.broadcast %broadcast_in_dim3A_624 : i32 to vector<16xi32>
      %and3A_626 = arith.andi %shift_right_arithmetic3A_623, %broadcast_in_dim3A_625 : vector<16xi32>
      %xor3A_627 = arith.xori %bitcast_convert_type3A_620, %and3A_626 : vector<16xi32>
      %broadcast_in_dim3A_628 = arith.constant -32 : i32
      %broadcast_in_dim3A_629 = vector.broadcast %broadcast_in_dim3A_628 : i32 to vector<16xi32>
      %and3A_630 = arith.andi %xor3A_627, %broadcast_in_dim3A_629 : vector<16xi32>
      %broadcast_in_dim3A_631 = arith.constant 10 : i32
      %broadcast_in_dim3A_632 = vector.broadcast %broadcast_in_dim3A_631 : i32 to vector<16xi32>
      %or3A_633 = arith.ori %and3A_630, %broadcast_in_dim3A_632 : vector<16xi32>
      %bitcast_convert_type3A_634 = tpu.bitcast %gather3A_400 : vector<16xf32> -> vector<16xi32>
      %broadcast_in_dim3A_635 = arith.constant 31 : i32
      %broadcast_in_dim3A_636 = vector.broadcast %broadcast_in_dim3A_635 : i32 to vector<16xi32>
      %shift_right_arithmetic3A_637 = arith.shrsi %bitcast_convert_type3A_634, %broadcast_in_dim3A_636 : vector<16xi32>
      %broadcast_in_dim3A_638 = arith.constant 2147483647 : i32
      %broadcast_in_dim3A_639 = vector.broadcast %broadcast_in_dim3A_638 : i32 to vector<16xi32>
      %and3A_640 = arith.andi %shift_right_arithmetic3A_637, %broadcast_in_dim3A_639 : vector<16xi32>
      %xor3A_641 = arith.xori %bitcast_convert_type3A_634, %and3A_640 : vector<16xi32>
      %broadcast_in_dim3A_642 = arith.constant -32 : i32
      %broadcast_in_dim3A_643 = vector.broadcast %broadcast_in_dim3A_642 : i32 to vector<16xi32>
      %and3A_644 = arith.andi %xor3A_641, %broadcast_in_dim3A_643 : vector<16xi32>
      %broadcast_in_dim3A_645 = arith.constant 11 : i32
      %broadcast_in_dim3A_646 = vector.broadcast %broadcast_in_dim3A_645 : i32 to vector<16xi32>
      %or3A_647 = arith.ori %and3A_644, %broadcast_in_dim3A_646 : vector<16xi32>
      %bitcast_convert_type3A_648 = tpu.bitcast %gather3A_407 : vector<16xf32> -> vector<16xi32>
      %broadcast_in_dim3A_649 = arith.constant 31 : i32
      %broadcast_in_dim3A_650 = vector.broadcast %broadcast_in_dim3A_649 : i32 to vector<16xi32>
      %shift_right_arithmetic3A_651 = arith.shrsi %bitcast_convert_type3A_648, %broadcast_in_dim3A_650 : vector<16xi32>
      %broadcast_in_dim3A_652 = arith.constant 2147483647 : i32
      %broadcast_in_dim3A_653 = vector.broadcast %broadcast_in_dim3A_652 : i32 to vector<16xi32>
      %and3A_654 = arith.andi %shift_right_arithmetic3A_651, %broadcast_in_dim3A_653 : vector<16xi32>
      %xor3A_655 = arith.xori %bitcast_convert_type3A_648, %and3A_654 : vector<16xi32>
      %broadcast_in_dim3A_656 = arith.constant -32 : i32
      %broadcast_in_dim3A_657 = vector.broadcast %broadcast_in_dim3A_656 : i32 to vector<16xi32>
      %and3A_658 = arith.andi %xor3A_655, %broadcast_in_dim3A_657 : vector<16xi32>
      %broadcast_in_dim3A_659 = arith.constant 12 : i32
      %broadcast_in_dim3A_660 = vector.broadcast %broadcast_in_dim3A_659 : i32 to vector<16xi32>
      %or3A_661 = arith.ori %and3A_658, %broadcast_in_dim3A_660 : vector<16xi32>
      %bitcast_convert_type3A_662 = tpu.bitcast %gather3A_414 : vector<16xf32> -> vector<16xi32>
      %broadcast_in_dim3A_663 = arith.constant 31 : i32
      %broadcast_in_dim3A_664 = vector.broadcast %broadcast_in_dim3A_663 : i32 to vector<16xi32>
      %shift_right_arithmetic3A_665 = arith.shrsi %bitcast_convert_type3A_662, %broadcast_in_dim3A_664 : vector<16xi32>
      %broadcast_in_dim3A_666 = arith.constant 2147483647 : i32
      %broadcast_in_dim3A_667 = vector.broadcast %broadcast_in_dim3A_666 : i32 to vector<16xi32>
      %and3A_668 = arith.andi %shift_right_arithmetic3A_665, %broadcast_in_dim3A_667 : vector<16xi32>
      %xor3A_669 = arith.xori %bitcast_convert_type3A_662, %and3A_668 : vector<16xi32>
      %broadcast_in_dim3A_670 = arith.constant -32 : i32
      %broadcast_in_dim3A_671 = vector.broadcast %broadcast_in_dim3A_670 : i32 to vector<16xi32>
      %and3A_672 = arith.andi %xor3A_669, %broadcast_in_dim3A_671 : vector<16xi32>
      %broadcast_in_dim3A_673 = arith.constant 13 : i32
      %broadcast_in_dim3A_674 = vector.broadcast %broadcast_in_dim3A_673 : i32 to vector<16xi32>
      %or3A_675 = arith.ori %and3A_672, %broadcast_in_dim3A_674 : vector<16xi32>
      %bitcast_convert_type3A_676 = tpu.bitcast %gather3A_421 : vector<16xf32> -> vector<16xi32>
      %broadcast_in_dim3A_677 = arith.constant 31 : i32
      %broadcast_in_dim3A_678 = vector.broadcast %broadcast_in_dim3A_677 : i32 to vector<16xi32>
      %shift_right_arithmetic3A_679 = arith.shrsi %bitcast_convert_type3A_676, %broadcast_in_dim3A_678 : vector<16xi32>
      %broadcast_in_dim3A_680 = arith.constant 2147483647 : i32
      %broadcast_in_dim3A_681 = vector.broadcast %broadcast_in_dim3A_680 : i32 to vector<16xi32>
      %and3A_682 = arith.andi %shift_right_arithmetic3A_679, %broadcast_in_dim3A_681 : vector<16xi32>
      %xor3A_683 = arith.xori %bitcast_convert_type3A_676, %and3A_682 : vector<16xi32>
      %broadcast_in_dim3A_684 = arith.constant -32 : i32
      %broadcast_in_dim3A_685 = vector.broadcast %broadcast_in_dim3A_684 : i32 to vector<16xi32>
      %and3A_686 = arith.andi %xor3A_683, %broadcast_in_dim3A_685 : vector<16xi32>
      %broadcast_in_dim3A_687 = arith.constant 14 : i32
      %broadcast_in_dim3A_688 = vector.broadcast %broadcast_in_dim3A_687 : i32 to vector<16xi32>
      %or3A_689 = arith.ori %and3A_686, %broadcast_in_dim3A_688 : vector<16xi32>
      %bitcast_convert_type3A_690 = tpu.bitcast %gather3A_428 : vector<16xf32> -> vector<16xi32>
      %broadcast_in_dim3A_691 = arith.constant 31 : i32
      %broadcast_in_dim3A_692 = vector.broadcast %broadcast_in_dim3A_691 : i32 to vector<16xi32>
      %shift_right_arithmetic3A_693 = arith.shrsi %bitcast_convert_type3A_690, %broadcast_in_dim3A_692 : vector<16xi32>
      %broadcast_in_dim3A_694 = arith.constant 2147483647 : i32
      %broadcast_in_dim3A_695 = vector.broadcast %broadcast_in_dim3A_694 : i32 to vector<16xi32>
      %and3A_696 = arith.andi %shift_right_arithmetic3A_693, %broadcast_in_dim3A_695 : vector<16xi32>
      %xor3A_697 = arith.xori %bitcast_convert_type3A_690, %and3A_696 : vector<16xi32>
      %broadcast_in_dim3A_698 = arith.constant -32 : i32
      %broadcast_in_dim3A_699 = vector.broadcast %broadcast_in_dim3A_698 : i32 to vector<16xi32>
      %and3A_700 = arith.andi %xor3A_697, %broadcast_in_dim3A_699 : vector<16xi32>
      %broadcast_in_dim3A_701 = arith.constant 15 : i32
      %broadcast_in_dim3A_702 = vector.broadcast %broadcast_in_dim3A_701 : i32 to vector<16xi32>
      %or3A_703 = arith.ori %and3A_700, %broadcast_in_dim3A_702 : vector<16xi32>
      %bitcast_convert_type3A_704 = tpu.bitcast %gather3A_435 : vector<16xf32> -> vector<16xi32>
      %broadcast_in_dim3A_705 = arith.constant 31 : i32
      %broadcast_in_dim3A_706 = vector.broadcast %broadcast_in_dim3A_705 : i32 to vector<16xi32>
      %shift_right_arithmetic3A_707 = arith.shrsi %bitcast_convert_type3A_704, %broadcast_in_dim3A_706 : vector<16xi32>
      %broadcast_in_dim3A_708 = arith.constant 2147483647 : i32
      %broadcast_in_dim3A_709 = vector.broadcast %broadcast_in_dim3A_708 : i32 to vector<16xi32>
      %and3A_710 = arith.andi %shift_right_arithmetic3A_707, %broadcast_in_dim3A_709 : vector<16xi32>
      %xor3A_711 = arith.xori %bitcast_convert_type3A_704, %and3A_710 : vector<16xi32>
      %broadcast_in_dim3A_712 = arith.constant -32 : i32
      %broadcast_in_dim3A_713 = vector.broadcast %broadcast_in_dim3A_712 : i32 to vector<16xi32>
      %and3A_714 = arith.andi %xor3A_711, %broadcast_in_dim3A_713 : vector<16xi32>
      %broadcast_in_dim3A_715 = arith.constant 16 : i32
      %broadcast_in_dim3A_716 = vector.broadcast %broadcast_in_dim3A_715 : i32 to vector<16xi32>
      %or3A_717 = arith.ori %and3A_714, %broadcast_in_dim3A_716 : vector<16xi32>
      %bitcast_convert_type3A_718 = tpu.bitcast %gather3A_442 : vector<16xf32> -> vector<16xi32>
      %broadcast_in_dim3A_719 = arith.constant 31 : i32
      %broadcast_in_dim3A_720 = vector.broadcast %broadcast_in_dim3A_719 : i32 to vector<16xi32>
      %shift_right_arithmetic3A_721 = arith.shrsi %bitcast_convert_type3A_718, %broadcast_in_dim3A_720 : vector<16xi32>
      %broadcast_in_dim3A_722 = arith.constant 2147483647 : i32
      %broadcast_in_dim3A_723 = vector.broadcast %broadcast_in_dim3A_722 : i32 to vector<16xi32>
      %and3A_724 = arith.andi %shift_right_arithmetic3A_721, %broadcast_in_dim3A_723 : vector<16xi32>
      %xor3A_725 = arith.xori %bitcast_convert_type3A_718, %and3A_724 : vector<16xi32>
      %broadcast_in_dim3A_726 = arith.constant -32 : i32
      %broadcast_in_dim3A_727 = vector.broadcast %broadcast_in_dim3A_726 : i32 to vector<16xi32>
      %and3A_728 = arith.andi %xor3A_725, %broadcast_in_dim3A_727 : vector<16xi32>
      %broadcast_in_dim3A_729 = arith.constant 17 : i32
      %broadcast_in_dim3A_730 = vector.broadcast %broadcast_in_dim3A_729 : i32 to vector<16xi32>
      %or3A_731 = arith.ori %and3A_728, %broadcast_in_dim3A_730 : vector<16xi32>
      %bitcast_convert_type3A_732 = tpu.bitcast %gather3A_449 : vector<16xf32> -> vector<16xi32>
      %broadcast_in_dim3A_733 = arith.constant 31 : i32
      %broadcast_in_dim3A_734 = vector.broadcast %broadcast_in_dim3A_733 : i32 to vector<16xi32>
      %shift_right_arithmetic3A_735 = arith.shrsi %bitcast_convert_type3A_732, %broadcast_in_dim3A_734 : vector<16xi32>
      %broadcast_in_dim3A_736 = arith.constant 2147483647 : i32
      %broadcast_in_dim3A_737 = vector.broadcast %broadcast_in_dim3A_736 : i32 to vector<16xi32>
      %and3A_738 = arith.andi %shift_right_arithmetic3A_735, %broadcast_in_dim3A_737 : vector<16xi32>
      %xor3A_739 = arith.xori %bitcast_convert_type3A_732, %and3A_738 : vector<16xi32>
      %broadcast_in_dim3A_740 = arith.constant -32 : i32
      %broadcast_in_dim3A_741 = vector.broadcast %broadcast_in_dim3A_740 : i32 to vector<16xi32>
      %and3A_742 = arith.andi %xor3A_739, %broadcast_in_dim3A_741 : vector<16xi32>
      %broadcast_in_dim3A_743 = arith.constant 18 : i32
      %broadcast_in_dim3A_744 = vector.broadcast %broadcast_in_dim3A_743 : i32 to vector<16xi32>
      %or3A_745 = arith.ori %and3A_742, %broadcast_in_dim3A_744 : vector<16xi32>
      %bitcast_convert_type3A_746 = tpu.bitcast %gather3A_456 : vector<16xf32> -> vector<16xi32>
      %broadcast_in_dim3A_747 = arith.constant 31 : i32
      %broadcast_in_dim3A_748 = vector.broadcast %broadcast_in_dim3A_747 : i32 to vector<16xi32>
      %shift_right_arithmetic3A_749 = arith.shrsi %bitcast_convert_type3A_746, %broadcast_in_dim3A_748 : vector<16xi32>
      %broadcast_in_dim3A_750 = arith.constant 2147483647 : i32
      %broadcast_in_dim3A_751 = vector.broadcast %broadcast_in_dim3A_750 : i32 to vector<16xi32>
      %and3A_752 = arith.andi %shift_right_arithmetic3A_749, %broadcast_in_dim3A_751 : vector<16xi32>
      %xor3A_753 = arith.xori %bitcast_convert_type3A_746, %and3A_752 : vector<16xi32>
      %broadcast_in_dim3A_754 = arith.constant -32 : i32
      %broadcast_in_dim3A_755 = vector.broadcast %broadcast_in_dim3A_754 : i32 to vector<16xi32>
      %and3A_756 = arith.andi %xor3A_753, %broadcast_in_dim3A_755 : vector<16xi32>
      %broadcast_in_dim3A_757 = arith.constant 19 : i32
      %broadcast_in_dim3A_758 = vector.broadcast %broadcast_in_dim3A_757 : i32 to vector<16xi32>
      %or3A_759 = arith.ori %and3A_756, %broadcast_in_dim3A_758 : vector<16xi32>
      %bitcast_convert_type3A_760 = tpu.bitcast %gather3A_463 : vector<16xf32> -> vector<16xi32>
      %broadcast_in_dim3A_761 = arith.constant 31 : i32
      %broadcast_in_dim3A_762 = vector.broadcast %broadcast_in_dim3A_761 : i32 to vector<16xi32>
      %shift_right_arithmetic3A_763 = arith.shrsi %bitcast_convert_type3A_760, %broadcast_in_dim3A_762 : vector<16xi32>
      %broadcast_in_dim3A_764 = arith.constant 2147483647 : i32
      %broadcast_in_dim3A_765 = vector.broadcast %broadcast_in_dim3A_764 : i32 to vector<16xi32>
      %and3A_766 = arith.andi %shift_right_arithmetic3A_763, %broadcast_in_dim3A_765 : vector<16xi32>
      %xor3A_767 = arith.xori %bitcast_convert_type3A_760, %and3A_766 : vector<16xi32>
      %broadcast_in_dim3A_768 = arith.constant -32 : i32
      %broadcast_in_dim3A_769 = vector.broadcast %broadcast_in_dim3A_768 : i32 to vector<16xi32>
      %and3A_770 = arith.andi %xor3A_767, %broadcast_in_dim3A_769 : vector<16xi32>
      %broadcast_in_dim3A_771 = arith.constant 20 : i32
      %broadcast_in_dim3A_772 = vector.broadcast %broadcast_in_dim3A_771 : i32 to vector<16xi32>
      %or3A_773 = arith.ori %and3A_770, %broadcast_in_dim3A_772 : vector<16xi32>
      %bitcast_convert_type3A_774 = tpu.bitcast %gather3A_470 : vector<16xf32> -> vector<16xi32>
      %broadcast_in_dim3A_775 = arith.constant 31 : i32
      %broadcast_in_dim3A_776 = vector.broadcast %broadcast_in_dim3A_775 : i32 to vector<16xi32>
      %shift_right_arithmetic3A_777 = arith.shrsi %bitcast_convert_type3A_774, %broadcast_in_dim3A_776 : vector<16xi32>
      %broadcast_in_dim3A_778 = arith.constant 2147483647 : i32
      %broadcast_in_dim3A_779 = vector.broadcast %broadcast_in_dim3A_778 : i32 to vector<16xi32>
      %and3A_780 = arith.andi %shift_right_arithmetic3A_777, %broadcast_in_dim3A_779 : vector<16xi32>
      %xor3A_781 = arith.xori %bitcast_convert_type3A_774, %and3A_780 : vector<16xi32>
      %broadcast_in_dim3A_782 = arith.constant -32 : i32
      %broadcast_in_dim3A_783 = vector.broadcast %broadcast_in_dim3A_782 : i32 to vector<16xi32>
      %and3A_784 = arith.andi %xor3A_781, %broadcast_in_dim3A_783 : vector<16xi32>
      %broadcast_in_dim3A_785 = arith.constant 21 : i32
      %broadcast_in_dim3A_786 = vector.broadcast %broadcast_in_dim3A_785 : i32 to vector<16xi32>
      %or3A_787 = arith.ori %and3A_784, %broadcast_in_dim3A_786 : vector<16xi32>
      %bitcast_convert_type3A_788 = tpu.bitcast %gather3A_477 : vector<16xf32> -> vector<16xi32>
      %broadcast_in_dim3A_789 = arith.constant 31 : i32
      %broadcast_in_dim3A_790 = vector.broadcast %broadcast_in_dim3A_789 : i32 to vector<16xi32>
      %shift_right_arithmetic3A_791 = arith.shrsi %bitcast_convert_type3A_788, %broadcast_in_dim3A_790 : vector<16xi32>
      %broadcast_in_dim3A_792 = arith.constant 2147483647 : i32
      %broadcast_in_dim3A_793 = vector.broadcast %broadcast_in_dim3A_792 : i32 to vector<16xi32>
      %and3A_794 = arith.andi %shift_right_arithmetic3A_791, %broadcast_in_dim3A_793 : vector<16xi32>
      %xor3A_795 = arith.xori %bitcast_convert_type3A_788, %and3A_794 : vector<16xi32>
      %broadcast_in_dim3A_796 = arith.constant -32 : i32
      %broadcast_in_dim3A_797 = vector.broadcast %broadcast_in_dim3A_796 : i32 to vector<16xi32>
      %and3A_798 = arith.andi %xor3A_795, %broadcast_in_dim3A_797 : vector<16xi32>
      %broadcast_in_dim3A_799 = arith.constant 22 : i32
      %broadcast_in_dim3A_800 = vector.broadcast %broadcast_in_dim3A_799 : i32 to vector<16xi32>
      %or3A_801 = arith.ori %and3A_798, %broadcast_in_dim3A_800 : vector<16xi32>
      %bitcast_convert_type3A_802 = tpu.bitcast %gather3A_484 : vector<16xf32> -> vector<16xi32>
      %broadcast_in_dim3A_803 = arith.constant 31 : i32
      %broadcast_in_dim3A_804 = vector.broadcast %broadcast_in_dim3A_803 : i32 to vector<16xi32>
      %shift_right_arithmetic3A_805 = arith.shrsi %bitcast_convert_type3A_802, %broadcast_in_dim3A_804 : vector<16xi32>
      %broadcast_in_dim3A_806 = arith.constant 2147483647 : i32
      %broadcast_in_dim3A_807 = vector.broadcast %broadcast_in_dim3A_806 : i32 to vector<16xi32>
      %and3A_808 = arith.andi %shift_right_arithmetic3A_805, %broadcast_in_dim3A_807 : vector<16xi32>
      %xor3A_809 = arith.xori %bitcast_convert_type3A_802, %and3A_808 : vector<16xi32>
      %broadcast_in_dim3A_810 = arith.constant -32 : i32
      %broadcast_in_dim3A_811 = vector.broadcast %broadcast_in_dim3A_810 : i32 to vector<16xi32>
      %and3A_812 = arith.andi %xor3A_809, %broadcast_in_dim3A_811 : vector<16xi32>
      %broadcast_in_dim3A_813 = arith.constant 23 : i32
      %broadcast_in_dim3A_814 = vector.broadcast %broadcast_in_dim3A_813 : i32 to vector<16xi32>
      %or3A_815 = arith.ori %and3A_812, %broadcast_in_dim3A_814 : vector<16xi32>
      %max3A_816 = arith.maxsi %or3A, %or3A_507 : vector<16xi32>
      %max3A_817 = arith.maxsi %or3A_521, %or3A_535 : vector<16xi32>
      %max3A_818 = arith.maxsi %or3A_549, %or3A_563 : vector<16xi32>
      %max3A_819 = arith.maxsi %or3A_577, %or3A_591 : vector<16xi32>
      %max3A_820 = arith.maxsi %or3A_605, %or3A_619 : vector<16xi32>
      %max3A_821 = arith.maxsi %or3A_633, %or3A_647 : vector<16xi32>
      %max3A_822 = arith.maxsi %or3A_661, %or3A_675 : vector<16xi32>
      %max3A_823 = arith.maxsi %or3A_689, %or3A_703 : vector<16xi32>
      %max3A_824 = arith.maxsi %or3A_717, %or3A_731 : vector<16xi32>
      %max3A_825 = arith.maxsi %or3A_745, %or3A_759 : vector<16xi32>
      %max3A_826 = arith.maxsi %or3A_773, %or3A_787 : vector<16xi32>
      %max3A_827 = arith.maxsi %or3A_801, %or3A_815 : vector<16xi32>
      %max3A_828 = arith.maxsi %max3A_816, %max3A_817 : vector<16xi32>
      %max3A_829 = arith.maxsi %max3A_818, %max3A_819 : vector<16xi32>
      %max3A_830 = arith.maxsi %max3A_820, %max3A_821 : vector<16xi32>
      %max3A_831 = arith.maxsi %max3A_822, %max3A_823 : vector<16xi32>
      %max3A_832 = arith.maxsi %max3A_824, %max3A_825 : vector<16xi32>
      %max3A_833 = arith.maxsi %max3A_826, %max3A_827 : vector<16xi32>
      %max3A_834 = arith.maxsi %max3A_828, %max3A_829 : vector<16xi32>
      %max3A_835 = arith.maxsi %max3A_830, %max3A_831 : vector<16xi32>
      %max3A_836 = arith.maxsi %max3A_832, %max3A_833 : vector<16xi32>
      %max3A_837 = arith.maxsi %max3A_834, %max3A_835 : vector<16xi32>
      %max3A_838 = arith.maxsi %max3A_837, %max3A_836 : vector<16xi32>
      %eq3A_839 = arith.cmpi eq, %or3A, %max3A_838 : vector<16xi32>
      %select_n3A_840 = arith.select %eq3A_839, %broadcast_in_dim3A_5, %or3A : vector<16xi1>, vector<16xi32>
      %eq3A_841 = arith.cmpi eq, %or3A_507, %max3A_838 : vector<16xi32>
      %select_n3A_842 = arith.select %eq3A_841, %broadcast_in_dim3A_5, %or3A_507 : vector<16xi1>, vector<16xi32>
      %eq3A_843 = arith.cmpi eq, %or3A_521, %max3A_838 : vector<16xi32>
      %select_n3A_844 = arith.select %eq3A_843, %broadcast_in_dim3A_5, %or3A_521 : vector<16xi1>, vector<16xi32>
      %eq3A_845 = arith.cmpi eq, %or3A_535, %max3A_838 : vector<16xi32>
      %select_n3A_846 = arith.select %eq3A_845, %broadcast_in_dim3A_5, %or3A_535 : vector<16xi1>, vector<16xi32>
      %eq3A_847 = arith.cmpi eq, %or3A_549, %max3A_838 : vector<16xi32>
      %select_n3A_848 = arith.select %eq3A_847, %broadcast_in_dim3A_5, %or3A_549 : vector<16xi1>, vector<16xi32>
      %eq3A_849 = arith.cmpi eq, %or3A_563, %max3A_838 : vector<16xi32>
      %select_n3A_850 = arith.select %eq3A_849, %broadcast_in_dim3A_5, %or3A_563 : vector<16xi1>, vector<16xi32>
      %eq3A_851 = arith.cmpi eq, %or3A_577, %max3A_838 : vector<16xi32>
      %select_n3A_852 = arith.select %eq3A_851, %broadcast_in_dim3A_5, %or3A_577 : vector<16xi1>, vector<16xi32>
      %eq3A_853 = arith.cmpi eq, %or3A_591, %max3A_838 : vector<16xi32>
      %select_n3A_854 = arith.select %eq3A_853, %broadcast_in_dim3A_5, %or3A_591 : vector<16xi1>, vector<16xi32>
      %eq3A_855 = arith.cmpi eq, %or3A_605, %max3A_838 : vector<16xi32>
      %select_n3A_856 = arith.select %eq3A_855, %broadcast_in_dim3A_5, %or3A_605 : vector<16xi1>, vector<16xi32>
      %eq3A_857 = arith.cmpi eq, %or3A_619, %max3A_838 : vector<16xi32>
      %select_n3A_858 = arith.select %eq3A_857, %broadcast_in_dim3A_5, %or3A_619 : vector<16xi1>, vector<16xi32>
      %eq3A_859 = arith.cmpi eq, %or3A_633, %max3A_838 : vector<16xi32>
      %select_n3A_860 = arith.select %eq3A_859, %broadcast_in_dim3A_5, %or3A_633 : vector<16xi1>, vector<16xi32>
      %eq3A_861 = arith.cmpi eq, %or3A_647, %max3A_838 : vector<16xi32>
      %select_n3A_862 = arith.select %eq3A_861, %broadcast_in_dim3A_5, %or3A_647 : vector<16xi1>, vector<16xi32>
      %eq3A_863 = arith.cmpi eq, %or3A_661, %max3A_838 : vector<16xi32>
      %select_n3A_864 = arith.select %eq3A_863, %broadcast_in_dim3A_5, %or3A_661 : vector<16xi1>, vector<16xi32>
      %eq3A_865 = arith.cmpi eq, %or3A_675, %max3A_838 : vector<16xi32>
      %select_n3A_866 = arith.select %eq3A_865, %broadcast_in_dim3A_5, %or3A_675 : vector<16xi1>, vector<16xi32>
      %eq3A_867 = arith.cmpi eq, %or3A_689, %max3A_838 : vector<16xi32>
      %select_n3A_868 = arith.select %eq3A_867, %broadcast_in_dim3A_5, %or3A_689 : vector<16xi1>, vector<16xi32>
      %eq3A_869 = arith.cmpi eq, %or3A_703, %max3A_838 : vector<16xi32>
      %select_n3A_870 = arith.select %eq3A_869, %broadcast_in_dim3A_5, %or3A_703 : vector<16xi1>, vector<16xi32>
      %eq3A_871 = arith.cmpi eq, %or3A_717, %max3A_838 : vector<16xi32>
      %select_n3A_872 = arith.select %eq3A_871, %broadcast_in_dim3A_5, %or3A_717 : vector<16xi1>, vector<16xi32>
      %eq3A_873 = arith.cmpi eq, %or3A_731, %max3A_838 : vector<16xi32>
      %select_n3A_874 = arith.select %eq3A_873, %broadcast_in_dim3A_5, %or3A_731 : vector<16xi1>, vector<16xi32>
      %eq3A_875 = arith.cmpi eq, %or3A_745, %max3A_838 : vector<16xi32>
      %select_n3A_876 = arith.select %eq3A_875, %broadcast_in_dim3A_5, %or3A_745 : vector<16xi1>, vector<16xi32>
      %eq3A_877 = arith.cmpi eq, %or3A_759, %max3A_838 : vector<16xi32>
      %select_n3A_878 = arith.select %eq3A_877, %broadcast_in_dim3A_5, %or3A_759 : vector<16xi1>, vector<16xi32>
      %eq3A_879 = arith.cmpi eq, %or3A_773, %max3A_838 : vector<16xi32>
      %select_n3A_880 = arith.select %eq3A_879, %broadcast_in_dim3A_5, %or3A_773 : vector<16xi1>, vector<16xi32>
      %eq3A_881 = arith.cmpi eq, %or3A_787, %max3A_838 : vector<16xi32>
      %select_n3A_882 = arith.select %eq3A_881, %broadcast_in_dim3A_5, %or3A_787 : vector<16xi1>, vector<16xi32>
      %eq3A_883 = arith.cmpi eq, %or3A_801, %max3A_838 : vector<16xi32>
      %select_n3A_884 = arith.select %eq3A_883, %broadcast_in_dim3A_5, %or3A_801 : vector<16xi1>, vector<16xi32>
      %eq3A_885 = arith.cmpi eq, %or3A_815, %max3A_838 : vector<16xi32>
      %select_n3A_886 = arith.select %eq3A_885, %broadcast_in_dim3A_5, %or3A_815 : vector<16xi1>, vector<16xi32>
      %broadcast_in_dim3A_887 = arith.constant -32 : i32
      %broadcast_in_dim3A_888 = vector.broadcast %broadcast_in_dim3A_887 : i32 to vector<16xi32>
      %and3A_889 = arith.andi %max3A_838, %broadcast_in_dim3A_888 : vector<16xi32>
      %broadcast_in_dim3A_890 = arith.constant 31 : i32
      %broadcast_in_dim3A_891 = vector.broadcast %broadcast_in_dim3A_890 : i32 to vector<16xi32>
      %shift_right_arithmetic3A_892 = arith.shrsi %and3A_889, %broadcast_in_dim3A_891 : vector<16xi32>
      %broadcast_in_dim3A_893 = arith.constant 2147483647 : i32
      %broadcast_in_dim3A_894 = vector.broadcast %broadcast_in_dim3A_893 : i32 to vector<16xi32>
      %and3A_895 = arith.andi %shift_right_arithmetic3A_892, %broadcast_in_dim3A_894 : vector<16xi32>
      %xor3A_896 = arith.xori %and3A_889, %and3A_895 : vector<16xi32>
      %bitcast_convert_type3A_897 = tpu.bitcast %xor3A_896 : vector<16xi32> -> vector<16xf32>
      %max3A_898 = arith.maxsi %select_n3A_840, %select_n3A_842 : vector<16xi32>
      %max3A_899 = arith.maxsi %select_n3A_844, %select_n3A_846 : vector<16xi32>
      %max3A_900 = arith.maxsi %select_n3A_848, %select_n3A_850 : vector<16xi32>
      %max3A_901 = arith.maxsi %select_n3A_852, %select_n3A_854 : vector<16xi32>
      %max3A_902 = arith.maxsi %select_n3A_856, %select_n3A_858 : vector<16xi32>
      %max3A_903 = arith.maxsi %select_n3A_860, %select_n3A_862 : vector<16xi32>
      %max3A_904 = arith.maxsi %select_n3A_864, %select_n3A_866 : vector<16xi32>
      %max3A_905 = arith.maxsi %select_n3A_868, %select_n3A_870 : vector<16xi32>
      %max3A_906 = arith.maxsi %select_n3A_872, %select_n3A_874 : vector<16xi32>
      %max3A_907 = arith.maxsi %select_n3A_876, %select_n3A_878 : vector<16xi32>
      %max3A_908 = arith.maxsi %select_n3A_880, %select_n3A_882 : vector<16xi32>
      %max3A_909 = arith.maxsi %select_n3A_884, %select_n3A_886 : vector<16xi32>
      %max3A_910 = arith.maxsi %max3A_898, %max3A_899 : vector<16xi32>
      %max3A_911 = arith.maxsi %max3A_900, %max3A_901 : vector<16xi32>
      %max3A_912 = arith.maxsi %max3A_902, %max3A_903 : vector<16xi32>
      %max3A_913 = arith.maxsi %max3A_904, %max3A_905 : vector<16xi32>
      %max3A_914 = arith.maxsi %max3A_906, %max3A_907 : vector<16xi32>
      %max3A_915 = arith.maxsi %max3A_908, %max3A_909 : vector<16xi32>
      %max3A_916 = arith.maxsi %max3A_910, %max3A_911 : vector<16xi32>
      %max3A_917 = arith.maxsi %max3A_912, %max3A_913 : vector<16xi32>
      %max3A_918 = arith.maxsi %max3A_914, %max3A_915 : vector<16xi32>
      %max3A_919 = arith.maxsi %max3A_916, %max3A_917 : vector<16xi32>
      %max3A_920 = arith.maxsi %max3A_919, %max3A_918 : vector<16xi32>
      %eq3A_921 = arith.cmpi eq, %select_n3A_840, %max3A_920 : vector<16xi32>
      %select_n3A_922 = arith.select %eq3A_921, %broadcast_in_dim3A_5, %select_n3A_840 : vector<16xi1>, vector<16xi32>
      %eq3A_923 = arith.cmpi eq, %select_n3A_842, %max3A_920 : vector<16xi32>
      %select_n3A_924 = arith.select %eq3A_923, %broadcast_in_dim3A_5, %select_n3A_842 : vector<16xi1>, vector<16xi32>
      %eq3A_925 = arith.cmpi eq, %select_n3A_844, %max3A_920 : vector<16xi32>
      %select_n3A_926 = arith.select %eq3A_925, %broadcast_in_dim3A_5, %select_n3A_844 : vector<16xi1>, vector<16xi32>
      %eq3A_927 = arith.cmpi eq, %select_n3A_846, %max3A_920 : vector<16xi32>
      %select_n3A_928 = arith.select %eq3A_927, %broadcast_in_dim3A_5, %select_n3A_846 : vector<16xi1>, vector<16xi32>
      %eq3A_929 = arith.cmpi eq, %select_n3A_848, %max3A_920 : vector<16xi32>
      %select_n3A_930 = arith.select %eq3A_929, %broadcast_in_dim3A_5, %select_n3A_848 : vector<16xi1>, vector<16xi32>
      %eq3A_931 = arith.cmpi eq, %select_n3A_850, %max3A_920 : vector<16xi32>
      %select_n3A_932 = arith.select %eq3A_931, %broadcast_in_dim3A_5, %select_n3A_850 : vector<16xi1>, vector<16xi32>
      %eq3A_933 = arith.cmpi eq, %select_n3A_852, %max3A_920 : vector<16xi32>
      %select_n3A_934 = arith.select %eq3A_933, %broadcast_in_dim3A_5, %select_n3A_852 : vector<16xi1>, vector<16xi32>
      %eq3A_935 = arith.cmpi eq, %select_n3A_854, %max3A_920 : vector<16xi32>
      %select_n3A_936 = arith.select %eq3A_935, %broadcast_in_dim3A_5, %select_n3A_854 : vector<16xi1>, vector<16xi32>
      %eq3A_937 = arith.cmpi eq, %select_n3A_856, %max3A_920 : vector<16xi32>
      %select_n3A_938 = arith.select %eq3A_937, %broadcast_in_dim3A_5, %select_n3A_856 : vector<16xi1>, vector<16xi32>
      %eq3A_939 = arith.cmpi eq, %select_n3A_858, %max3A_920 : vector<16xi32>
      %select_n3A_940 = arith.select %eq3A_939, %broadcast_in_dim3A_5, %select_n3A_858 : vector<16xi1>, vector<16xi32>
      %eq3A_941 = arith.cmpi eq, %select_n3A_860, %max3A_920 : vector<16xi32>
      %select_n3A_942 = arith.select %eq3A_941, %broadcast_in_dim3A_5, %select_n3A_860 : vector<16xi1>, vector<16xi32>
      %eq3A_943 = arith.cmpi eq, %select_n3A_862, %max3A_920 : vector<16xi32>
      %select_n3A_944 = arith.select %eq3A_943, %broadcast_in_dim3A_5, %select_n3A_862 : vector<16xi1>, vector<16xi32>
      %eq3A_945 = arith.cmpi eq, %select_n3A_864, %max3A_920 : vector<16xi32>
      %select_n3A_946 = arith.select %eq3A_945, %broadcast_in_dim3A_5, %select_n3A_864 : vector<16xi1>, vector<16xi32>
      %eq3A_947 = arith.cmpi eq, %select_n3A_866, %max3A_920 : vector<16xi32>
      %select_n3A_948 = arith.select %eq3A_947, %broadcast_in_dim3A_5, %select_n3A_866 : vector<16xi1>, vector<16xi32>
      %eq3A_949 = arith.cmpi eq, %select_n3A_868, %max3A_920 : vector<16xi32>
      %select_n3A_950 = arith.select %eq3A_949, %broadcast_in_dim3A_5, %select_n3A_868 : vector<16xi1>, vector<16xi32>
      %eq3A_951 = arith.cmpi eq, %select_n3A_870, %max3A_920 : vector<16xi32>
      %select_n3A_952 = arith.select %eq3A_951, %broadcast_in_dim3A_5, %select_n3A_870 : vector<16xi1>, vector<16xi32>
      %eq3A_953 = arith.cmpi eq, %select_n3A_872, %max3A_920 : vector<16xi32>
      %select_n3A_954 = arith.select %eq3A_953, %broadcast_in_dim3A_5, %select_n3A_872 : vector<16xi1>, vector<16xi32>
      %eq3A_955 = arith.cmpi eq, %select_n3A_874, %max3A_920 : vector<16xi32>
      %select_n3A_956 = arith.select %eq3A_955, %broadcast_in_dim3A_5, %select_n3A_874 : vector<16xi1>, vector<16xi32>
      %eq3A_957 = arith.cmpi eq, %select_n3A_876, %max3A_920 : vector<16xi32>
      %select_n3A_958 = arith.select %eq3A_957, %broadcast_in_dim3A_5, %select_n3A_876 : vector<16xi1>, vector<16xi32>
      %eq3A_959 = arith.cmpi eq, %select_n3A_878, %max3A_920 : vector<16xi32>
      %select_n3A_960 = arith.select %eq3A_959, %broadcast_in_dim3A_5, %select_n3A_878 : vector<16xi1>, vector<16xi32>
      %eq3A_961 = arith.cmpi eq, %select_n3A_880, %max3A_920 : vector<16xi32>
      %select_n3A_962 = arith.select %eq3A_961, %broadcast_in_dim3A_5, %select_n3A_880 : vector<16xi1>, vector<16xi32>
      %eq3A_963 = arith.cmpi eq, %select_n3A_882, %max3A_920 : vector<16xi32>
      %select_n3A_964 = arith.select %eq3A_963, %broadcast_in_dim3A_5, %select_n3A_882 : vector<16xi1>, vector<16xi32>
      %eq3A_965 = arith.cmpi eq, %select_n3A_884, %max3A_920 : vector<16xi32>
      %select_n3A_966 = arith.select %eq3A_965, %broadcast_in_dim3A_5, %select_n3A_884 : vector<16xi1>, vector<16xi32>
      %eq3A_967 = arith.cmpi eq, %select_n3A_886, %max3A_920 : vector<16xi32>
      %select_n3A_968 = arith.select %eq3A_967, %broadcast_in_dim3A_5, %select_n3A_886 : vector<16xi1>, vector<16xi32>
      %broadcast_in_dim3A_969 = arith.constant -32 : i32
      %broadcast_in_dim3A_970 = vector.broadcast %broadcast_in_dim3A_969 : i32 to vector<16xi32>
      %and3A_971 = arith.andi %max3A_920, %broadcast_in_dim3A_970 : vector<16xi32>
      %broadcast_in_dim3A_972 = arith.constant 31 : i32
      %broadcast_in_dim3A_973 = vector.broadcast %broadcast_in_dim3A_972 : i32 to vector<16xi32>
      %shift_right_arithmetic3A_974 = arith.shrsi %and3A_971, %broadcast_in_dim3A_973 : vector<16xi32>
      %broadcast_in_dim3A_975 = arith.constant 2147483647 : i32
      %broadcast_in_dim3A_976 = vector.broadcast %broadcast_in_dim3A_975 : i32 to vector<16xi32>
      %and3A_977 = arith.andi %shift_right_arithmetic3A_974, %broadcast_in_dim3A_976 : vector<16xi32>
      %xor3A_978 = arith.xori %and3A_971, %and3A_977 : vector<16xi32>
      %bitcast_convert_type3A_979 = tpu.bitcast %xor3A_978 : vector<16xi32> -> vector<16xf32>
      %max3A_980 = arith.maxsi %select_n3A_922, %select_n3A_924 : vector<16xi32>
      %max3A_981 = arith.maxsi %select_n3A_926, %select_n3A_928 : vector<16xi32>
      %max3A_982 = arith.maxsi %select_n3A_930, %select_n3A_932 : vector<16xi32>
      %max3A_983 = arith.maxsi %select_n3A_934, %select_n3A_936 : vector<16xi32>
      %max3A_984 = arith.maxsi %select_n3A_938, %select_n3A_940 : vector<16xi32>
      %max3A_985 = arith.maxsi %select_n3A_942, %select_n3A_944 : vector<16xi32>
      %max3A_986 = arith.maxsi %select_n3A_946, %select_n3A_948 : vector<16xi32>
      %max3A_987 = arith.maxsi %select_n3A_950, %select_n3A_952 : vector<16xi32>
      %max3A_988 = arith.maxsi %select_n3A_954, %select_n3A_956 : vector<16xi32>
      %max3A_989 = arith.maxsi %select_n3A_958, %select_n3A_960 : vector<16xi32>
      %max3A_990 = arith.maxsi %select_n3A_962, %select_n3A_964 : vector<16xi32>
      %max3A_991 = arith.maxsi %select_n3A_966, %select_n3A_968 : vector<16xi32>
      %max3A_992 = arith.maxsi %max3A_980, %max3A_981 : vector<16xi32>
      %max3A_993 = arith.maxsi %max3A_982, %max3A_983 : vector<16xi32>
      %max3A_994 = arith.maxsi %max3A_984, %max3A_985 : vector<16xi32>
      %max3A_995 = arith.maxsi %max3A_986, %max3A_987 : vector<16xi32>
      %max3A_996 = arith.maxsi %max3A_988, %max3A_989 : vector<16xi32>
      %max3A_997 = arith.maxsi %max3A_990, %max3A_991 : vector<16xi32>
      %max3A_998 = arith.maxsi %max3A_992, %max3A_993 : vector<16xi32>
      %max3A_999 = arith.maxsi %max3A_994, %max3A_995 : vector<16xi32>
      %max3A_1000 = arith.maxsi %max3A_996, %max3A_997 : vector<16xi32>
      %max3A_1001 = arith.maxsi %max3A_998, %max3A_999 : vector<16xi32>
      %max3A_1002 = arith.maxsi %max3A_1001, %max3A_1000 : vector<16xi32>
      %eq3A_1003 = arith.cmpi eq, %select_n3A_922, %max3A_1002 : vector<16xi32>
      %select_n3A_1004 = arith.select %eq3A_1003, %broadcast_in_dim3A_5, %select_n3A_922 : vector<16xi1>, vector<16xi32>
      %eq3A_1005 = arith.cmpi eq, %select_n3A_924, %max3A_1002 : vector<16xi32>
      %select_n3A_1006 = arith.select %eq3A_1005, %broadcast_in_dim3A_5, %select_n3A_924 : vector<16xi1>, vector<16xi32>
      %eq3A_1007 = arith.cmpi eq, %select_n3A_926, %max3A_1002 : vector<16xi32>
      %select_n3A_1008 = arith.select %eq3A_1007, %broadcast_in_dim3A_5, %select_n3A_926 : vector<16xi1>, vector<16xi32>
      %eq3A_1009 = arith.cmpi eq, %select_n3A_928, %max3A_1002 : vector<16xi32>
      %select_n3A_1010 = arith.select %eq3A_1009, %broadcast_in_dim3A_5, %select_n3A_928 : vector<16xi1>, vector<16xi32>
      %eq3A_1011 = arith.cmpi eq, %select_n3A_930, %max3A_1002 : vector<16xi32>
      %select_n3A_1012 = arith.select %eq3A_1011, %broadcast_in_dim3A_5, %select_n3A_930 : vector<16xi1>, vector<16xi32>
      %eq3A_1013 = arith.cmpi eq, %select_n3A_932, %max3A_1002 : vector<16xi32>
      %select_n3A_1014 = arith.select %eq3A_1013, %broadcast_in_dim3A_5, %select_n3A_932 : vector<16xi1>, vector<16xi32>
      %eq3A_1015 = arith.cmpi eq, %select_n3A_934, %max3A_1002 : vector<16xi32>
      %select_n3A_1016 = arith.select %eq3A_1015, %broadcast_in_dim3A_5, %select_n3A_934 : vector<16xi1>, vector<16xi32>
      %eq3A_1017 = arith.cmpi eq, %select_n3A_936, %max3A_1002 : vector<16xi32>
      %select_n3A_1018 = arith.select %eq3A_1017, %broadcast_in_dim3A_5, %select_n3A_936 : vector<16xi1>, vector<16xi32>
      %eq3A_1019 = arith.cmpi eq, %select_n3A_938, %max3A_1002 : vector<16xi32>
      %select_n3A_1020 = arith.select %eq3A_1019, %broadcast_in_dim3A_5, %select_n3A_938 : vector<16xi1>, vector<16xi32>
      %eq3A_1021 = arith.cmpi eq, %select_n3A_940, %max3A_1002 : vector<16xi32>
      %select_n3A_1022 = arith.select %eq3A_1021, %broadcast_in_dim3A_5, %select_n3A_940 : vector<16xi1>, vector<16xi32>
      %eq3A_1023 = arith.cmpi eq, %select_n3A_942, %max3A_1002 : vector<16xi32>
      %select_n3A_1024 = arith.select %eq3A_1023, %broadcast_in_dim3A_5, %select_n3A_942 : vector<16xi1>, vector<16xi32>
      %eq3A_1025 = arith.cmpi eq, %select_n3A_944, %max3A_1002 : vector<16xi32>
      %select_n3A_1026 = arith.select %eq3A_1025, %broadcast_in_dim3A_5, %select_n3A_944 : vector<16xi1>, vector<16xi32>
      %eq3A_1027 = arith.cmpi eq, %select_n3A_946, %max3A_1002 : vector<16xi32>
      %select_n3A_1028 = arith.select %eq3A_1027, %broadcast_in_dim3A_5, %select_n3A_946 : vector<16xi1>, vector<16xi32>
      %eq3A_1029 = arith.cmpi eq, %select_n3A_948, %max3A_1002 : vector<16xi32>
      %select_n3A_1030 = arith.select %eq3A_1029, %broadcast_in_dim3A_5, %select_n3A_948 : vector<16xi1>, vector<16xi32>
      %eq3A_1031 = arith.cmpi eq, %select_n3A_950, %max3A_1002 : vector<16xi32>
      %select_n3A_1032 = arith.select %eq3A_1031, %broadcast_in_dim3A_5, %select_n3A_950 : vector<16xi1>, vector<16xi32>
      %eq3A_1033 = arith.cmpi eq, %select_n3A_952, %max3A_1002 : vector<16xi32>
      %select_n3A_1034 = arith.select %eq3A_1033, %broadcast_in_dim3A_5, %select_n3A_952 : vector<16xi1>, vector<16xi32>
      %eq3A_1035 = arith.cmpi eq, %select_n3A_954, %max3A_1002 : vector<16xi32>
      %select_n3A_1036 = arith.select %eq3A_1035, %broadcast_in_dim3A_5, %select_n3A_954 : vector<16xi1>, vector<16xi32>
      %eq3A_1037 = arith.cmpi eq, %select_n3A_956, %max3A_1002 : vector<16xi32>
      %select_n3A_1038 = arith.select %eq3A_1037, %broadcast_in_dim3A_5, %select_n3A_956 : vector<16xi1>, vector<16xi32>
      %eq3A_1039 = arith.cmpi eq, %select_n3A_958, %max3A_1002 : vector<16xi32>
      %select_n3A_1040 = arith.select %eq3A_1039, %broadcast_in_dim3A_5, %select_n3A_958 : vector<16xi1>, vector<16xi32>
      %eq3A_1041 = arith.cmpi eq, %select_n3A_960, %max3A_1002 : vector<16xi32>
      %select_n3A_1042 = arith.select %eq3A_1041, %broadcast_in_dim3A_5, %select_n3A_960 : vector<16xi1>, vector<16xi32>
      %eq3A_1043 = arith.cmpi eq, %select_n3A_962, %max3A_1002 : vector<16xi32>
      %select_n3A_1044 = arith.select %eq3A_1043, %broadcast_in_dim3A_5, %select_n3A_962 : vector<16xi1>, vector<16xi32>
      %eq3A_1045 = arith.cmpi eq, %select_n3A_964, %max3A_1002 : vector<16xi32>
      %select_n3A_1046 = arith.select %eq3A_1045, %broadcast_in_dim3A_5, %select_n3A_964 : vector<16xi1>, vector<16xi32>
      %eq3A_1047 = arith.cmpi eq, %select_n3A_966, %max3A_1002 : vector<16xi32>
      %select_n3A_1048 = arith.select %eq3A_1047, %broadcast_in_dim3A_5, %select_n3A_966 : vector<16xi1>, vector<16xi32>
      %eq3A_1049 = arith.cmpi eq, %select_n3A_968, %max3A_1002 : vector<16xi32>
      %select_n3A_1050 = arith.select %eq3A_1049, %broadcast_in_dim3A_5, %select_n3A_968 : vector<16xi1>, vector<16xi32>
      %broadcast_in_dim3A_1051 = arith.constant -32 : i32
      %broadcast_in_dim3A_1052 = vector.broadcast %broadcast_in_dim3A_1051 : i32 to vector<16xi32>
      %and3A_1053 = arith.andi %max3A_1002, %broadcast_in_dim3A_1052 : vector<16xi32>
      %broadcast_in_dim3A_1054 = arith.constant 31 : i32
      %broadcast_in_dim3A_1055 = vector.broadcast %broadcast_in_dim3A_1054 : i32 to vector<16xi32>
      %shift_right_arithmetic3A_1056 = arith.shrsi %and3A_1053, %broadcast_in_dim3A_1055 : vector<16xi32>
      %broadcast_in_dim3A_1057 = arith.constant 2147483647 : i32
      %broadcast_in_dim3A_1058 = vector.broadcast %broadcast_in_dim3A_1057 : i32 to vector<16xi32>
      %and3A_1059 = arith.andi %shift_right_arithmetic3A_1056, %broadcast_in_dim3A_1058 : vector<16xi32>
      %xor3A_1060 = arith.xori %and3A_1053, %and3A_1059 : vector<16xi32>
      %bitcast_convert_type3A_1061 = tpu.bitcast %xor3A_1060 : vector<16xi32> -> vector<16xf32>
      %max3A_1062 = arith.maxsi %select_n3A_1004, %select_n3A_1006 : vector<16xi32>
      %max3A_1063 = arith.maxsi %select_n3A_1008, %select_n3A_1010 : vector<16xi32>
      %max3A_1064 = arith.maxsi %select_n3A_1012, %select_n3A_1014 : vector<16xi32>
      %max3A_1065 = arith.maxsi %select_n3A_1016, %select_n3A_1018 : vector<16xi32>
      %max3A_1066 = arith.maxsi %select_n3A_1020, %select_n3A_1022 : vector<16xi32>
      %max3A_1067 = arith.maxsi %select_n3A_1024, %select_n3A_1026 : vector<16xi32>
      %max3A_1068 = arith.maxsi %select_n3A_1028, %select_n3A_1030 : vector<16xi32>
      %max3A_1069 = arith.maxsi %select_n3A_1032, %select_n3A_1034 : vector<16xi32>
      %max3A_1070 = arith.maxsi %select_n3A_1036, %select_n3A_1038 : vector<16xi32>
      %max3A_1071 = arith.maxsi %select_n3A_1040, %select_n3A_1042 : vector<16xi32>
      %max3A_1072 = arith.maxsi %select_n3A_1044, %select_n3A_1046 : vector<16xi32>
      %max3A_1073 = arith.maxsi %select_n3A_1048, %select_n3A_1050 : vector<16xi32>
      %max3A_1074 = arith.maxsi %max3A_1062, %max3A_1063 : vector<16xi32>
      %max3A_1075 = arith.maxsi %max3A_1064, %max3A_1065 : vector<16xi32>
      %max3A_1076 = arith.maxsi %max3A_1066, %max3A_1067 : vector<16xi32>
      %max3A_1077 = arith.maxsi %max3A_1068, %max3A_1069 : vector<16xi32>
      %max3A_1078 = arith.maxsi %max3A_1070, %max3A_1071 : vector<16xi32>
      %max3A_1079 = arith.maxsi %max3A_1072, %max3A_1073 : vector<16xi32>
      %max3A_1080 = arith.maxsi %max3A_1074, %max3A_1075 : vector<16xi32>
      %max3A_1081 = arith.maxsi %max3A_1076, %max3A_1077 : vector<16xi32>
      %max3A_1082 = arith.maxsi %max3A_1078, %max3A_1079 : vector<16xi32>
      %max3A_1083 = arith.maxsi %max3A_1080, %max3A_1081 : vector<16xi32>
      %max3A_1084 = arith.maxsi %max3A_1083, %max3A_1082 : vector<16xi32>
      %eq3A_1085 = arith.cmpi eq, %select_n3A_1004, %max3A_1084 : vector<16xi32>
      %select_n3A_1086 = arith.select %eq3A_1085, %broadcast_in_dim3A_5, %select_n3A_1004 : vector<16xi1>, vector<16xi32>
      %eq3A_1087 = arith.cmpi eq, %select_n3A_1006, %max3A_1084 : vector<16xi32>
      %select_n3A_1088 = arith.select %eq3A_1087, %broadcast_in_dim3A_5, %select_n3A_1006 : vector<16xi1>, vector<16xi32>
      %eq3A_1089 = arith.cmpi eq, %select_n3A_1008, %max3A_1084 : vector<16xi32>
      %select_n3A_1090 = arith.select %eq3A_1089, %broadcast_in_dim3A_5, %select_n3A_1008 : vector<16xi1>, vector<16xi32>
      %eq3A_1091 = arith.cmpi eq, %select_n3A_1010, %max3A_1084 : vector<16xi32>
      %select_n3A_1092 = arith.select %eq3A_1091, %broadcast_in_dim3A_5, %select_n3A_1010 : vector<16xi1>, vector<16xi32>
      %eq3A_1093 = arith.cmpi eq, %select_n3A_1012, %max3A_1084 : vector<16xi32>
      %select_n3A_1094 = arith.select %eq3A_1093, %broadcast_in_dim3A_5, %select_n3A_1012 : vector<16xi1>, vector<16xi32>
      %eq3A_1095 = arith.cmpi eq, %select_n3A_1014, %max3A_1084 : vector<16xi32>
      %select_n3A_1096 = arith.select %eq3A_1095, %broadcast_in_dim3A_5, %select_n3A_1014 : vector<16xi1>, vector<16xi32>
      %eq3A_1097 = arith.cmpi eq, %select_n3A_1016, %max3A_1084 : vector<16xi32>
      %select_n3A_1098 = arith.select %eq3A_1097, %broadcast_in_dim3A_5, %select_n3A_1016 : vector<16xi1>, vector<16xi32>
      %eq3A_1099 = arith.cmpi eq, %select_n3A_1018, %max3A_1084 : vector<16xi32>
      %select_n3A_1100 = arith.select %eq3A_1099, %broadcast_in_dim3A_5, %select_n3A_1018 : vector<16xi1>, vector<16xi32>
      %eq3A_1101 = arith.cmpi eq, %select_n3A_1020, %max3A_1084 : vector<16xi32>
      %select_n3A_1102 = arith.select %eq3A_1101, %broadcast_in_dim3A_5, %select_n3A_1020 : vector<16xi1>, vector<16xi32>
      %eq3A_1103 = arith.cmpi eq, %select_n3A_1022, %max3A_1084 : vector<16xi32>
      %select_n3A_1104 = arith.select %eq3A_1103, %broadcast_in_dim3A_5, %select_n3A_1022 : vector<16xi1>, vector<16xi32>
      %eq3A_1105 = arith.cmpi eq, %select_n3A_1024, %max3A_1084 : vector<16xi32>
      %select_n3A_1106 = arith.select %eq3A_1105, %broadcast_in_dim3A_5, %select_n3A_1024 : vector<16xi1>, vector<16xi32>
      %eq3A_1107 = arith.cmpi eq, %select_n3A_1026, %max3A_1084 : vector<16xi32>
      %select_n3A_1108 = arith.select %eq3A_1107, %broadcast_in_dim3A_5, %select_n3A_1026 : vector<16xi1>, vector<16xi32>
      %eq3A_1109 = arith.cmpi eq, %select_n3A_1028, %max3A_1084 : vector<16xi32>
      %select_n3A_1110 = arith.select %eq3A_1109, %broadcast_in_dim3A_5, %select_n3A_1028 : vector<16xi1>, vector<16xi32>
      %eq3A_1111 = arith.cmpi eq, %select_n3A_1030, %max3A_1084 : vector<16xi32>
      %select_n3A_1112 = arith.select %eq3A_1111, %broadcast_in_dim3A_5, %select_n3A_1030 : vector<16xi1>, vector<16xi32>
      %eq3A_1113 = arith.cmpi eq, %select_n3A_1032, %max3A_1084 : vector<16xi32>
      %select_n3A_1114 = arith.select %eq3A_1113, %broadcast_in_dim3A_5, %select_n3A_1032 : vector<16xi1>, vector<16xi32>
      %eq3A_1115 = arith.cmpi eq, %select_n3A_1034, %max3A_1084 : vector<16xi32>
      %select_n3A_1116 = arith.select %eq3A_1115, %broadcast_in_dim3A_5, %select_n3A_1034 : vector<16xi1>, vector<16xi32>
      %eq3A_1117 = arith.cmpi eq, %select_n3A_1036, %max3A_1084 : vector<16xi32>
      %select_n3A_1118 = arith.select %eq3A_1117, %broadcast_in_dim3A_5, %select_n3A_1036 : vector<16xi1>, vector<16xi32>
      %eq3A_1119 = arith.cmpi eq, %select_n3A_1038, %max3A_1084 : vector<16xi32>
      %select_n3A_1120 = arith.select %eq3A_1119, %broadcast_in_dim3A_5, %select_n3A_1038 : vector<16xi1>, vector<16xi32>
      %eq3A_1121 = arith.cmpi eq, %select_n3A_1040, %max3A_1084 : vector<16xi32>
      %select_n3A_1122 = arith.select %eq3A_1121, %broadcast_in_dim3A_5, %select_n3A_1040 : vector<16xi1>, vector<16xi32>
      %eq3A_1123 = arith.cmpi eq, %select_n3A_1042, %max3A_1084 : vector<16xi32>
      %select_n3A_1124 = arith.select %eq3A_1123, %broadcast_in_dim3A_5, %select_n3A_1042 : vector<16xi1>, vector<16xi32>
      %eq3A_1125 = arith.cmpi eq, %select_n3A_1044, %max3A_1084 : vector<16xi32>
      %select_n3A_1126 = arith.select %eq3A_1125, %broadcast_in_dim3A_5, %select_n3A_1044 : vector<16xi1>, vector<16xi32>
      %eq3A_1127 = arith.cmpi eq, %select_n3A_1046, %max3A_1084 : vector<16xi32>
      %select_n3A_1128 = arith.select %eq3A_1127, %broadcast_in_dim3A_5, %select_n3A_1046 : vector<16xi1>, vector<16xi32>
      %eq3A_1129 = arith.cmpi eq, %select_n3A_1048, %max3A_1084 : vector<16xi32>
      %select_n3A_1130 = arith.select %eq3A_1129, %broadcast_in_dim3A_5, %select_n3A_1048 : vector<16xi1>, vector<16xi32>
      %eq3A_1131 = arith.cmpi eq, %select_n3A_1050, %max3A_1084 : vector<16xi32>
      %select_n3A_1132 = arith.select %eq3A_1131, %broadcast_in_dim3A_5, %select_n3A_1050 : vector<16xi1>, vector<16xi32>
      %broadcast_in_dim3A_1133 = arith.constant -32 : i32
      %broadcast_in_dim3A_1134 = vector.broadcast %broadcast_in_dim3A_1133 : i32 to vector<16xi32>
      %and3A_1135 = arith.andi %max3A_1084, %broadcast_in_dim3A_1134 : vector<16xi32>
      %broadcast_in_dim3A_1136 = arith.constant 31 : i32
      %broadcast_in_dim3A_1137 = vector.broadcast %broadcast_in_dim3A_1136 : i32 to vector<16xi32>
      %shift_right_arithmetic3A_1138 = arith.shrsi %and3A_1135, %broadcast_in_dim3A_1137 : vector<16xi32>
      %broadcast_in_dim3A_1139 = arith.constant 2147483647 : i32
      %broadcast_in_dim3A_1140 = vector.broadcast %broadcast_in_dim3A_1139 : i32 to vector<16xi32>
      %and3A_1141 = arith.andi %shift_right_arithmetic3A_1138, %broadcast_in_dim3A_1140 : vector<16xi32>
      %xor3A_1142 = arith.xori %and3A_1135, %and3A_1141 : vector<16xi32>
      %bitcast_convert_type3A_1143 = tpu.bitcast %xor3A_1142 : vector<16xi32> -> vector<16xf32>
      %max3A_1144 = arith.maxsi %select_n3A_1086, %select_n3A_1088 : vector<16xi32>
      %max3A_1145 = arith.maxsi %select_n3A_1090, %select_n3A_1092 : vector<16xi32>
      %max3A_1146 = arith.maxsi %select_n3A_1094, %select_n3A_1096 : vector<16xi32>
      %max3A_1147 = arith.maxsi %select_n3A_1098, %select_n3A_1100 : vector<16xi32>
      %max3A_1148 = arith.maxsi %select_n3A_1102, %select_n3A_1104 : vector<16xi32>
      %max3A_1149 = arith.maxsi %select_n3A_1106, %select_n3A_1108 : vector<16xi32>
      %max3A_1150 = arith.maxsi %select_n3A_1110, %select_n3A_1112 : vector<16xi32>
      %max3A_1151 = arith.maxsi %select_n3A_1114, %select_n3A_1116 : vector<16xi32>
      %max3A_1152 = arith.maxsi %select_n3A_1118, %select_n3A_1120 : vector<16xi32>
      %max3A_1153 = arith.maxsi %select_n3A_1122, %select_n3A_1124 : vector<16xi32>
      %max3A_1154 = arith.maxsi %select_n3A_1126, %select_n3A_1128 : vector<16xi32>
      %max3A_1155 = arith.maxsi %select_n3A_1130, %select_n3A_1132 : vector<16xi32>
      %max3A_1156 = arith.maxsi %max3A_1144, %max3A_1145 : vector<16xi32>
      %max3A_1157 = arith.maxsi %max3A_1146, %max3A_1147 : vector<16xi32>
      %max3A_1158 = arith.maxsi %max3A_1148, %max3A_1149 : vector<16xi32>
      %max3A_1159 = arith.maxsi %max3A_1150, %max3A_1151 : vector<16xi32>
      %max3A_1160 = arith.maxsi %max3A_1152, %max3A_1153 : vector<16xi32>
      %max3A_1161 = arith.maxsi %max3A_1154, %max3A_1155 : vector<16xi32>
      %max3A_1162 = arith.maxsi %max3A_1156, %max3A_1157 : vector<16xi32>
      %max3A_1163 = arith.maxsi %max3A_1158, %max3A_1159 : vector<16xi32>
      %max3A_1164 = arith.maxsi %max3A_1160, %max3A_1161 : vector<16xi32>
      %max3A_1165 = arith.maxsi %max3A_1162, %max3A_1163 : vector<16xi32>
      %max3A_1166 = arith.maxsi %max3A_1165, %max3A_1164 : vector<16xi32>
      %eq3A_1167 = arith.cmpi eq, %select_n3A_1086, %max3A_1166 : vector<16xi32>
      %select_n3A_1168 = arith.select %eq3A_1167, %broadcast_in_dim3A_5, %select_n3A_1086 : vector<16xi1>, vector<16xi32>
      %eq3A_1169 = arith.cmpi eq, %select_n3A_1088, %max3A_1166 : vector<16xi32>
      %select_n3A_1170 = arith.select %eq3A_1169, %broadcast_in_dim3A_5, %select_n3A_1088 : vector<16xi1>, vector<16xi32>
      %eq3A_1171 = arith.cmpi eq, %select_n3A_1090, %max3A_1166 : vector<16xi32>
      %select_n3A_1172 = arith.select %eq3A_1171, %broadcast_in_dim3A_5, %select_n3A_1090 : vector<16xi1>, vector<16xi32>
      %eq3A_1173 = arith.cmpi eq, %select_n3A_1092, %max3A_1166 : vector<16xi32>
      %select_n3A_1174 = arith.select %eq3A_1173, %broadcast_in_dim3A_5, %select_n3A_1092 : vector<16xi1>, vector<16xi32>
      %eq3A_1175 = arith.cmpi eq, %select_n3A_1094, %max3A_1166 : vector<16xi32>
      %select_n3A_1176 = arith.select %eq3A_1175, %broadcast_in_dim3A_5, %select_n3A_1094 : vector<16xi1>, vector<16xi32>
      %eq3A_1177 = arith.cmpi eq, %select_n3A_1096, %max3A_1166 : vector<16xi32>
      %select_n3A_1178 = arith.select %eq3A_1177, %broadcast_in_dim3A_5, %select_n3A_1096 : vector<16xi1>, vector<16xi32>
      %eq3A_1179 = arith.cmpi eq, %select_n3A_1098, %max3A_1166 : vector<16xi32>
      %select_n3A_1180 = arith.select %eq3A_1179, %broadcast_in_dim3A_5, %select_n3A_1098 : vector<16xi1>, vector<16xi32>
      %eq3A_1181 = arith.cmpi eq, %select_n3A_1100, %max3A_1166 : vector<16xi32>
      %select_n3A_1182 = arith.select %eq3A_1181, %broadcast_in_dim3A_5, %select_n3A_1100 : vector<16xi1>, vector<16xi32>
      %eq3A_1183 = arith.cmpi eq, %select_n3A_1102, %max3A_1166 : vector<16xi32>
      %select_n3A_1184 = arith.select %eq3A_1183, %broadcast_in_dim3A_5, %select_n3A_1102 : vector<16xi1>, vector<16xi32>
      %eq3A_1185 = arith.cmpi eq, %select_n3A_1104, %max3A_1166 : vector<16xi32>
      %select_n3A_1186 = arith.select %eq3A_1185, %broadcast_in_dim3A_5, %select_n3A_1104 : vector<16xi1>, vector<16xi32>
      %eq3A_1187 = arith.cmpi eq, %select_n3A_1106, %max3A_1166 : vector<16xi32>
      %select_n3A_1188 = arith.select %eq3A_1187, %broadcast_in_dim3A_5, %select_n3A_1106 : vector<16xi1>, vector<16xi32>
      %eq3A_1189 = arith.cmpi eq, %select_n3A_1108, %max3A_1166 : vector<16xi32>
      %select_n3A_1190 = arith.select %eq3A_1189, %broadcast_in_dim3A_5, %select_n3A_1108 : vector<16xi1>, vector<16xi32>
      %eq3A_1191 = arith.cmpi eq, %select_n3A_1110, %max3A_1166 : vector<16xi32>
      %select_n3A_1192 = arith.select %eq3A_1191, %broadcast_in_dim3A_5, %select_n3A_1110 : vector<16xi1>, vector<16xi32>
      %eq3A_1193 = arith.cmpi eq, %select_n3A_1112, %max3A_1166 : vector<16xi32>
      %select_n3A_1194 = arith.select %eq3A_1193, %broadcast_in_dim3A_5, %select_n3A_1112 : vector<16xi1>, vector<16xi32>
      %eq3A_1195 = arith.cmpi eq, %select_n3A_1114, %max3A_1166 : vector<16xi32>
      %select_n3A_1196 = arith.select %eq3A_1195, %broadcast_in_dim3A_5, %select_n3A_1114 : vector<16xi1>, vector<16xi32>
      %eq3A_1197 = arith.cmpi eq, %select_n3A_1116, %max3A_1166 : vector<16xi32>
      %select_n3A_1198 = arith.select %eq3A_1197, %broadcast_in_dim3A_5, %select_n3A_1116 : vector<16xi1>, vector<16xi32>
      %eq3A_1199 = arith.cmpi eq, %select_n3A_1118, %max3A_1166 : vector<16xi32>
      %select_n3A_1200 = arith.select %eq3A_1199, %broadcast_in_dim3A_5, %select_n3A_1118 : vector<16xi1>, vector<16xi32>
      %eq3A_1201 = arith.cmpi eq, %select_n3A_1120, %max3A_1166 : vector<16xi32>
      %select_n3A_1202 = arith.select %eq3A_1201, %broadcast_in_dim3A_5, %select_n3A_1120 : vector<16xi1>, vector<16xi32>
      %eq3A_1203 = arith.cmpi eq, %select_n3A_1122, %max3A_1166 : vector<16xi32>
      %select_n3A_1204 = arith.select %eq3A_1203, %broadcast_in_dim3A_5, %select_n3A_1122 : vector<16xi1>, vector<16xi32>
      %eq3A_1205 = arith.cmpi eq, %select_n3A_1124, %max3A_1166 : vector<16xi32>
      %select_n3A_1206 = arith.select %eq3A_1205, %broadcast_in_dim3A_5, %select_n3A_1124 : vector<16xi1>, vector<16xi32>
      %eq3A_1207 = arith.cmpi eq, %select_n3A_1126, %max3A_1166 : vector<16xi32>
      %select_n3A_1208 = arith.select %eq3A_1207, %broadcast_in_dim3A_5, %select_n3A_1126 : vector<16xi1>, vector<16xi32>
      %eq3A_1209 = arith.cmpi eq, %select_n3A_1128, %max3A_1166 : vector<16xi32>
      %select_n3A_1210 = arith.select %eq3A_1209, %broadcast_in_dim3A_5, %select_n3A_1128 : vector<16xi1>, vector<16xi32>
      %eq3A_1211 = arith.cmpi eq, %select_n3A_1130, %max3A_1166 : vector<16xi32>
      %select_n3A_1212 = arith.select %eq3A_1211, %broadcast_in_dim3A_5, %select_n3A_1130 : vector<16xi1>, vector<16xi32>
      %eq3A_1213 = arith.cmpi eq, %select_n3A_1132, %max3A_1166 : vector<16xi32>
      %select_n3A_1214 = arith.select %eq3A_1213, %broadcast_in_dim3A_5, %select_n3A_1132 : vector<16xi1>, vector<16xi32>
      %broadcast_in_dim3A_1215 = arith.constant -32 : i32
      %broadcast_in_dim3A_1216 = vector.broadcast %broadcast_in_dim3A_1215 : i32 to vector<16xi32>
      %and3A_1217 = arith.andi %max3A_1166, %broadcast_in_dim3A_1216 : vector<16xi32>
      %broadcast_in_dim3A_1218 = arith.constant 31 : i32
      %broadcast_in_dim3A_1219 = vector.broadcast %broadcast_in_dim3A_1218 : i32 to vector<16xi32>
      %shift_right_arithmetic3A_1220 = arith.shrsi %and3A_1217, %broadcast_in_dim3A_1219 : vector<16xi32>
      %broadcast_in_dim3A_1221 = arith.constant 2147483647 : i32
      %broadcast_in_dim3A_1222 = vector.broadcast %broadcast_in_dim3A_1221 : i32 to vector<16xi32>
      %and3A_1223 = arith.andi %shift_right_arithmetic3A_1220, %broadcast_in_dim3A_1222 : vector<16xi32>
      %xor3A_1224 = arith.xori %and3A_1217, %and3A_1223 : vector<16xi32>
      %bitcast_convert_type3A_1225 = tpu.bitcast %xor3A_1224 : vector<16xi32> -> vector<16xf32>
      %max3A_1226 = arith.maxsi %select_n3A_1168, %select_n3A_1170 : vector<16xi32>
      %max3A_1227 = arith.maxsi %select_n3A_1172, %select_n3A_1174 : vector<16xi32>
      %max3A_1228 = arith.maxsi %select_n3A_1176, %select_n3A_1178 : vector<16xi32>
      %max3A_1229 = arith.maxsi %select_n3A_1180, %select_n3A_1182 : vector<16xi32>
      %max3A_1230 = arith.maxsi %select_n3A_1184, %select_n3A_1186 : vector<16xi32>
      %max3A_1231 = arith.maxsi %select_n3A_1188, %select_n3A_1190 : vector<16xi32>
      %max3A_1232 = arith.maxsi %select_n3A_1192, %select_n3A_1194 : vector<16xi32>
      %max3A_1233 = arith.maxsi %select_n3A_1196, %select_n3A_1198 : vector<16xi32>
      %max3A_1234 = arith.maxsi %select_n3A_1200, %select_n3A_1202 : vector<16xi32>
      %max3A_1235 = arith.maxsi %select_n3A_1204, %select_n3A_1206 : vector<16xi32>
      %max3A_1236 = arith.maxsi %select_n3A_1208, %select_n3A_1210 : vector<16xi32>
      %max3A_1237 = arith.maxsi %select_n3A_1212, %select_n3A_1214 : vector<16xi32>
      %max3A_1238 = arith.maxsi %max3A_1226, %max3A_1227 : vector<16xi32>
      %max3A_1239 = arith.maxsi %max3A_1228, %max3A_1229 : vector<16xi32>
      %max3A_1240 = arith.maxsi %max3A_1230, %max3A_1231 : vector<16xi32>
      %max3A_1241 = arith.maxsi %max3A_1232, %max3A_1233 : vector<16xi32>
      %max3A_1242 = arith.maxsi %max3A_1234, %max3A_1235 : vector<16xi32>
      %max3A_1243 = arith.maxsi %max3A_1236, %max3A_1237 : vector<16xi32>
      %max3A_1244 = arith.maxsi %max3A_1238, %max3A_1239 : vector<16xi32>
      %max3A_1245 = arith.maxsi %max3A_1240, %max3A_1241 : vector<16xi32>
      %max3A_1246 = arith.maxsi %max3A_1242, %max3A_1243 : vector<16xi32>
      %max3A_1247 = arith.maxsi %max3A_1244, %max3A_1245 : vector<16xi32>
      %max3A_1248 = arith.maxsi %max3A_1247, %max3A_1246 : vector<16xi32>
      %eq3A_1249 = arith.cmpi eq, %select_n3A_1168, %max3A_1248 : vector<16xi32>
      %select_n3A_1250 = arith.select %eq3A_1249, %broadcast_in_dim3A_5, %select_n3A_1168 : vector<16xi1>, vector<16xi32>
      %eq3A_1251 = arith.cmpi eq, %select_n3A_1170, %max3A_1248 : vector<16xi32>
      %select_n3A_1252 = arith.select %eq3A_1251, %broadcast_in_dim3A_5, %select_n3A_1170 : vector<16xi1>, vector<16xi32>
      %eq3A_1253 = arith.cmpi eq, %select_n3A_1172, %max3A_1248 : vector<16xi32>
      %select_n3A_1254 = arith.select %eq3A_1253, %broadcast_in_dim3A_5, %select_n3A_1172 : vector<16xi1>, vector<16xi32>
      %eq3A_1255 = arith.cmpi eq, %select_n3A_1174, %max3A_1248 : vector<16xi32>
      %select_n3A_1256 = arith.select %eq3A_1255, %broadcast_in_dim3A_5, %select_n3A_1174 : vector<16xi1>, vector<16xi32>
      %eq3A_1257 = arith.cmpi eq, %select_n3A_1176, %max3A_1248 : vector<16xi32>
      %select_n3A_1258 = arith.select %eq3A_1257, %broadcast_in_dim3A_5, %select_n3A_1176 : vector<16xi1>, vector<16xi32>
      %eq3A_1259 = arith.cmpi eq, %select_n3A_1178, %max3A_1248 : vector<16xi32>
      %select_n3A_1260 = arith.select %eq3A_1259, %broadcast_in_dim3A_5, %select_n3A_1178 : vector<16xi1>, vector<16xi32>
      %eq3A_1261 = arith.cmpi eq, %select_n3A_1180, %max3A_1248 : vector<16xi32>
      %select_n3A_1262 = arith.select %eq3A_1261, %broadcast_in_dim3A_5, %select_n3A_1180 : vector<16xi1>, vector<16xi32>
      %eq3A_1263 = arith.cmpi eq, %select_n3A_1182, %max3A_1248 : vector<16xi32>
      %select_n3A_1264 = arith.select %eq3A_1263, %broadcast_in_dim3A_5, %select_n3A_1182 : vector<16xi1>, vector<16xi32>
      %eq3A_1265 = arith.cmpi eq, %select_n3A_1184, %max3A_1248 : vector<16xi32>
      %select_n3A_1266 = arith.select %eq3A_1265, %broadcast_in_dim3A_5, %select_n3A_1184 : vector<16xi1>, vector<16xi32>
      %eq3A_1267 = arith.cmpi eq, %select_n3A_1186, %max3A_1248 : vector<16xi32>
      %select_n3A_1268 = arith.select %eq3A_1267, %broadcast_in_dim3A_5, %select_n3A_1186 : vector<16xi1>, vector<16xi32>
      %eq3A_1269 = arith.cmpi eq, %select_n3A_1188, %max3A_1248 : vector<16xi32>
      %select_n3A_1270 = arith.select %eq3A_1269, %broadcast_in_dim3A_5, %select_n3A_1188 : vector<16xi1>, vector<16xi32>
      %eq3A_1271 = arith.cmpi eq, %select_n3A_1190, %max3A_1248 : vector<16xi32>
      %select_n3A_1272 = arith.select %eq3A_1271, %broadcast_in_dim3A_5, %select_n3A_1190 : vector<16xi1>, vector<16xi32>
      %eq3A_1273 = arith.cmpi eq, %select_n3A_1192, %max3A_1248 : vector<16xi32>
      %select_n3A_1274 = arith.select %eq3A_1273, %broadcast_in_dim3A_5, %select_n3A_1192 : vector<16xi1>, vector<16xi32>
      %eq3A_1275 = arith.cmpi eq, %select_n3A_1194, %max3A_1248 : vector<16xi32>
      %select_n3A_1276 = arith.select %eq3A_1275, %broadcast_in_dim3A_5, %select_n3A_1194 : vector<16xi1>, vector<16xi32>
      %eq3A_1277 = arith.cmpi eq, %select_n3A_1196, %max3A_1248 : vector<16xi32>
      %select_n3A_1278 = arith.select %eq3A_1277, %broadcast_in_dim3A_5, %select_n3A_1196 : vector<16xi1>, vector<16xi32>
      %eq3A_1279 = arith.cmpi eq, %select_n3A_1198, %max3A_1248 : vector<16xi32>
      %select_n3A_1280 = arith.select %eq3A_1279, %broadcast_in_dim3A_5, %select_n3A_1198 : vector<16xi1>, vector<16xi32>
      %eq3A_1281 = arith.cmpi eq, %select_n3A_1200, %max3A_1248 : vector<16xi32>
      %select_n3A_1282 = arith.select %eq3A_1281, %broadcast_in_dim3A_5, %select_n3A_1200 : vector<16xi1>, vector<16xi32>
      %eq3A_1283 = arith.cmpi eq, %select_n3A_1202, %max3A_1248 : vector<16xi32>
      %select_n3A_1284 = arith.select %eq3A_1283, %broadcast_in_dim3A_5, %select_n3A_1202 : vector<16xi1>, vector<16xi32>
      %eq3A_1285 = arith.cmpi eq, %select_n3A_1204, %max3A_1248 : vector<16xi32>
      %select_n3A_1286 = arith.select %eq3A_1285, %broadcast_in_dim3A_5, %select_n3A_1204 : vector<16xi1>, vector<16xi32>
      %eq3A_1287 = arith.cmpi eq, %select_n3A_1206, %max3A_1248 : vector<16xi32>
      %select_n3A_1288 = arith.select %eq3A_1287, %broadcast_in_dim3A_5, %select_n3A_1206 : vector<16xi1>, vector<16xi32>
      %eq3A_1289 = arith.cmpi eq, %select_n3A_1208, %max3A_1248 : vector<16xi32>
      %select_n3A_1290 = arith.select %eq3A_1289, %broadcast_in_dim3A_5, %select_n3A_1208 : vector<16xi1>, vector<16xi32>
      %eq3A_1291 = arith.cmpi eq, %select_n3A_1210, %max3A_1248 : vector<16xi32>
      %select_n3A_1292 = arith.select %eq3A_1291, %broadcast_in_dim3A_5, %select_n3A_1210 : vector<16xi1>, vector<16xi32>
      %eq3A_1293 = arith.cmpi eq, %select_n3A_1212, %max3A_1248 : vector<16xi32>
      %select_n3A_1294 = arith.select %eq3A_1293, %broadcast_in_dim3A_5, %select_n3A_1212 : vector<16xi1>, vector<16xi32>
      %eq3A_1295 = arith.cmpi eq, %select_n3A_1214, %max3A_1248 : vector<16xi32>
      %select_n3A_1296 = arith.select %eq3A_1295, %broadcast_in_dim3A_5, %select_n3A_1214 : vector<16xi1>, vector<16xi32>
      %broadcast_in_dim3A_1297 = arith.constant -32 : i32
      %broadcast_in_dim3A_1298 = vector.broadcast %broadcast_in_dim3A_1297 : i32 to vector<16xi32>
      %and3A_1299 = arith.andi %max3A_1248, %broadcast_in_dim3A_1298 : vector<16xi32>
      %broadcast_in_dim3A_1300 = arith.constant 31 : i32
      %broadcast_in_dim3A_1301 = vector.broadcast %broadcast_in_dim3A_1300 : i32 to vector<16xi32>
      %shift_right_arithmetic3A_1302 = arith.shrsi %and3A_1299, %broadcast_in_dim3A_1301 : vector<16xi32>
      %broadcast_in_dim3A_1303 = arith.constant 2147483647 : i32
      %broadcast_in_dim3A_1304 = vector.broadcast %broadcast_in_dim3A_1303 : i32 to vector<16xi32>
      %and3A_1305 = arith.andi %shift_right_arithmetic3A_1302, %broadcast_in_dim3A_1304 : vector<16xi32>
      %xor3A_1306 = arith.xori %and3A_1299, %and3A_1305 : vector<16xi32>
      %bitcast_convert_type3A_1307 = tpu.bitcast %xor3A_1306 : vector<16xi32> -> vector<16xf32>
      %max3A_1308 = arith.maxsi %select_n3A_1250, %select_n3A_1252 : vector<16xi32>
      %max3A_1309 = arith.maxsi %select_n3A_1254, %select_n3A_1256 : vector<16xi32>
      %max3A_1310 = arith.maxsi %select_n3A_1258, %select_n3A_1260 : vector<16xi32>
      %max3A_1311 = arith.maxsi %select_n3A_1262, %select_n3A_1264 : vector<16xi32>
      %max3A_1312 = arith.maxsi %select_n3A_1266, %select_n3A_1268 : vector<16xi32>
      %max3A_1313 = arith.maxsi %select_n3A_1270, %select_n3A_1272 : vector<16xi32>
      %max3A_1314 = arith.maxsi %select_n3A_1274, %select_n3A_1276 : vector<16xi32>
      %max3A_1315 = arith.maxsi %select_n3A_1278, %select_n3A_1280 : vector<16xi32>
      %max3A_1316 = arith.maxsi %select_n3A_1282, %select_n3A_1284 : vector<16xi32>
      %max3A_1317 = arith.maxsi %select_n3A_1286, %select_n3A_1288 : vector<16xi32>
      %max3A_1318 = arith.maxsi %select_n3A_1290, %select_n3A_1292 : vector<16xi32>
      %max3A_1319 = arith.maxsi %select_n3A_1294, %select_n3A_1296 : vector<16xi32>
      %max3A_1320 = arith.maxsi %max3A_1308, %max3A_1309 : vector<16xi32>
      %max3A_1321 = arith.maxsi %max3A_1310, %max3A_1311 : vector<16xi32>
      %max3A_1322 = arith.maxsi %max3A_1312, %max3A_1313 : vector<16xi32>
      %max3A_1323 = arith.maxsi %max3A_1314, %max3A_1315 : vector<16xi32>
      %max3A_1324 = arith.maxsi %max3A_1316, %max3A_1317 : vector<16xi32>
      %max3A_1325 = arith.maxsi %max3A_1318, %max3A_1319 : vector<16xi32>
      %max3A_1326 = arith.maxsi %max3A_1320, %max3A_1321 : vector<16xi32>
      %max3A_1327 = arith.maxsi %max3A_1322, %max3A_1323 : vector<16xi32>
      %max3A_1328 = arith.maxsi %max3A_1324, %max3A_1325 : vector<16xi32>
      %max3A_1329 = arith.maxsi %max3A_1326, %max3A_1327 : vector<16xi32>
      %max3A_1330 = arith.maxsi %max3A_1329, %max3A_1328 : vector<16xi32>
      %eq3A_1331 = arith.cmpi eq, %select_n3A_1250, %max3A_1330 : vector<16xi32>
      %select_n3A_1332 = arith.select %eq3A_1331, %broadcast_in_dim3A_5, %select_n3A_1250 : vector<16xi1>, vector<16xi32>
      %eq3A_1333 = arith.cmpi eq, %select_n3A_1252, %max3A_1330 : vector<16xi32>
      %select_n3A_1334 = arith.select %eq3A_1333, %broadcast_in_dim3A_5, %select_n3A_1252 : vector<16xi1>, vector<16xi32>
      %eq3A_1335 = arith.cmpi eq, %select_n3A_1254, %max3A_1330 : vector<16xi32>
      %select_n3A_1336 = arith.select %eq3A_1335, %broadcast_in_dim3A_5, %select_n3A_1254 : vector<16xi1>, vector<16xi32>
      %eq3A_1337 = arith.cmpi eq, %select_n3A_1256, %max3A_1330 : vector<16xi32>
      %select_n3A_1338 = arith.select %eq3A_1337, %broadcast_in_dim3A_5, %select_n3A_1256 : vector<16xi1>, vector<16xi32>
      %eq3A_1339 = arith.cmpi eq, %select_n3A_1258, %max3A_1330 : vector<16xi32>
      %select_n3A_1340 = arith.select %eq3A_1339, %broadcast_in_dim3A_5, %select_n3A_1258 : vector<16xi1>, vector<16xi32>
      %eq3A_1341 = arith.cmpi eq, %select_n3A_1260, %max3A_1330 : vector<16xi32>
      %select_n3A_1342 = arith.select %eq3A_1341, %broadcast_in_dim3A_5, %select_n3A_1260 : vector<16xi1>, vector<16xi32>
      %eq3A_1343 = arith.cmpi eq, %select_n3A_1262, %max3A_1330 : vector<16xi32>
      %select_n3A_1344 = arith.select %eq3A_1343, %broadcast_in_dim3A_5, %select_n3A_1262 : vector<16xi1>, vector<16xi32>
      %eq3A_1345 = arith.cmpi eq, %select_n3A_1264, %max3A_1330 : vector<16xi32>
      %select_n3A_1346 = arith.select %eq3A_1345, %broadcast_in_dim3A_5, %select_n3A_1264 : vector<16xi1>, vector<16xi32>
      %eq3A_1347 = arith.cmpi eq, %select_n3A_1266, %max3A_1330 : vector<16xi32>
      %select_n3A_1348 = arith.select %eq3A_1347, %broadcast_in_dim3A_5, %select_n3A_1266 : vector<16xi1>, vector<16xi32>
      %eq3A_1349 = arith.cmpi eq, %select_n3A_1268, %max3A_1330 : vector<16xi32>
      %select_n3A_1350 = arith.select %eq3A_1349, %broadcast_in_dim3A_5, %select_n3A_1268 : vector<16xi1>, vector<16xi32>
      %eq3A_1351 = arith.cmpi eq, %select_n3A_1270, %max3A_1330 : vector<16xi32>
      %select_n3A_1352 = arith.select %eq3A_1351, %broadcast_in_dim3A_5, %select_n3A_1270 : vector<16xi1>, vector<16xi32>
      %eq3A_1353 = arith.cmpi eq, %select_n3A_1272, %max3A_1330 : vector<16xi32>
      %select_n3A_1354 = arith.select %eq3A_1353, %broadcast_in_dim3A_5, %select_n3A_1272 : vector<16xi1>, vector<16xi32>
      %eq3A_1355 = arith.cmpi eq, %select_n3A_1274, %max3A_1330 : vector<16xi32>
      %select_n3A_1356 = arith.select %eq3A_1355, %broadcast_in_dim3A_5, %select_n3A_1274 : vector<16xi1>, vector<16xi32>
      %eq3A_1357 = arith.cmpi eq, %select_n3A_1276, %max3A_1330 : vector<16xi32>
      %select_n3A_1358 = arith.select %eq3A_1357, %broadcast_in_dim3A_5, %select_n3A_1276 : vector<16xi1>, vector<16xi32>
      %eq3A_1359 = arith.cmpi eq, %select_n3A_1278, %max3A_1330 : vector<16xi32>
      %select_n3A_1360 = arith.select %eq3A_1359, %broadcast_in_dim3A_5, %select_n3A_1278 : vector<16xi1>, vector<16xi32>
      %eq3A_1361 = arith.cmpi eq, %select_n3A_1280, %max3A_1330 : vector<16xi32>
      %select_n3A_1362 = arith.select %eq3A_1361, %broadcast_in_dim3A_5, %select_n3A_1280 : vector<16xi1>, vector<16xi32>
      %eq3A_1363 = arith.cmpi eq, %select_n3A_1282, %max3A_1330 : vector<16xi32>
      %select_n3A_1364 = arith.select %eq3A_1363, %broadcast_in_dim3A_5, %select_n3A_1282 : vector<16xi1>, vector<16xi32>
      %eq3A_1365 = arith.cmpi eq, %select_n3A_1284, %max3A_1330 : vector<16xi32>
      %select_n3A_1366 = arith.select %eq3A_1365, %broadcast_in_dim3A_5, %select_n3A_1284 : vector<16xi1>, vector<16xi32>
      %eq3A_1367 = arith.cmpi eq, %select_n3A_1286, %max3A_1330 : vector<16xi32>
      %select_n3A_1368 = arith.select %eq3A_1367, %broadcast_in_dim3A_5, %select_n3A_1286 : vector<16xi1>, vector<16xi32>
      %eq3A_1369 = arith.cmpi eq, %select_n3A_1288, %max3A_1330 : vector<16xi32>
      %select_n3A_1370 = arith.select %eq3A_1369, %broadcast_in_dim3A_5, %select_n3A_1288 : vector<16xi1>, vector<16xi32>
      %eq3A_1371 = arith.cmpi eq, %select_n3A_1290, %max3A_1330 : vector<16xi32>
      %select_n3A_1372 = arith.select %eq3A_1371, %broadcast_in_dim3A_5, %select_n3A_1290 : vector<16xi1>, vector<16xi32>
      %eq3A_1373 = arith.cmpi eq, %select_n3A_1292, %max3A_1330 : vector<16xi32>
      %select_n3A_1374 = arith.select %eq3A_1373, %broadcast_in_dim3A_5, %select_n3A_1292 : vector<16xi1>, vector<16xi32>
      %eq3A_1375 = arith.cmpi eq, %select_n3A_1294, %max3A_1330 : vector<16xi32>
      %select_n3A_1376 = arith.select %eq3A_1375, %broadcast_in_dim3A_5, %select_n3A_1294 : vector<16xi1>, vector<16xi32>
      %eq3A_1377 = arith.cmpi eq, %select_n3A_1296, %max3A_1330 : vector<16xi32>
      %select_n3A_1378 = arith.select %eq3A_1377, %broadcast_in_dim3A_5, %select_n3A_1296 : vector<16xi1>, vector<16xi32>
      %broadcast_in_dim3A_1379 = arith.constant -32 : i32
      %broadcast_in_dim3A_1380 = vector.broadcast %broadcast_in_dim3A_1379 : i32 to vector<16xi32>
      %and3A_1381 = arith.andi %max3A_1330, %broadcast_in_dim3A_1380 : vector<16xi32>
      %broadcast_in_dim3A_1382 = arith.constant 31 : i32
      %broadcast_in_dim3A_1383 = vector.broadcast %broadcast_in_dim3A_1382 : i32 to vector<16xi32>
      %shift_right_arithmetic3A_1384 = arith.shrsi %and3A_1381, %broadcast_in_dim3A_1383 : vector<16xi32>
      %broadcast_in_dim3A_1385 = arith.constant 2147483647 : i32
      %broadcast_in_dim3A_1386 = vector.broadcast %broadcast_in_dim3A_1385 : i32 to vector<16xi32>
      %and3A_1387 = arith.andi %shift_right_arithmetic3A_1384, %broadcast_in_dim3A_1386 : vector<16xi32>
      %xor3A_1388 = arith.xori %and3A_1381, %and3A_1387 : vector<16xi32>
      %bitcast_convert_type3A_1389 = tpu.bitcast %xor3A_1388 : vector<16xi32> -> vector<16xf32>
      %max3A_1390 = arith.maxsi %select_n3A_1332, %select_n3A_1334 : vector<16xi32>
      %max3A_1391 = arith.maxsi %select_n3A_1336, %select_n3A_1338 : vector<16xi32>
      %max3A_1392 = arith.maxsi %select_n3A_1340, %select_n3A_1342 : vector<16xi32>
      %max3A_1393 = arith.maxsi %select_n3A_1344, %select_n3A_1346 : vector<16xi32>
      %max3A_1394 = arith.maxsi %select_n3A_1348, %select_n3A_1350 : vector<16xi32>
      %max3A_1395 = arith.maxsi %select_n3A_1352, %select_n3A_1354 : vector<16xi32>
      %max3A_1396 = arith.maxsi %select_n3A_1356, %select_n3A_1358 : vector<16xi32>
      %max3A_1397 = arith.maxsi %select_n3A_1360, %select_n3A_1362 : vector<16xi32>
      %max3A_1398 = arith.maxsi %select_n3A_1364, %select_n3A_1366 : vector<16xi32>
      %max3A_1399 = arith.maxsi %select_n3A_1368, %select_n3A_1370 : vector<16xi32>
      %max3A_1400 = arith.maxsi %select_n3A_1372, %select_n3A_1374 : vector<16xi32>
      %max3A_1401 = arith.maxsi %select_n3A_1376, %select_n3A_1378 : vector<16xi32>
      %max3A_1402 = arith.maxsi %max3A_1390, %max3A_1391 : vector<16xi32>
      %max3A_1403 = arith.maxsi %max3A_1392, %max3A_1393 : vector<16xi32>
      %max3A_1404 = arith.maxsi %max3A_1394, %max3A_1395 : vector<16xi32>
      %max3A_1405 = arith.maxsi %max3A_1396, %max3A_1397 : vector<16xi32>
      %max3A_1406 = arith.maxsi %max3A_1398, %max3A_1399 : vector<16xi32>
      %max3A_1407 = arith.maxsi %max3A_1400, %max3A_1401 : vector<16xi32>
      %max3A_1408 = arith.maxsi %max3A_1402, %max3A_1403 : vector<16xi32>
      %max3A_1409 = arith.maxsi %max3A_1404, %max3A_1405 : vector<16xi32>
      %max3A_1410 = arith.maxsi %max3A_1406, %max3A_1407 : vector<16xi32>
      %max3A_1411 = arith.maxsi %max3A_1408, %max3A_1409 : vector<16xi32>
      %max3A_1412 = arith.maxsi %max3A_1411, %max3A_1410 : vector<16xi32>
      %eq3A_1413 = arith.cmpi eq, %select_n3A_1332, %max3A_1412 : vector<16xi32>
      %select_n3A_1414 = arith.select %eq3A_1413, %broadcast_in_dim3A_5, %select_n3A_1332 : vector<16xi1>, vector<16xi32>
      %eq3A_1415 = arith.cmpi eq, %select_n3A_1334, %max3A_1412 : vector<16xi32>
      %select_n3A_1416 = arith.select %eq3A_1415, %broadcast_in_dim3A_5, %select_n3A_1334 : vector<16xi1>, vector<16xi32>
      %eq3A_1417 = arith.cmpi eq, %select_n3A_1336, %max3A_1412 : vector<16xi32>
      %select_n3A_1418 = arith.select %eq3A_1417, %broadcast_in_dim3A_5, %select_n3A_1336 : vector<16xi1>, vector<16xi32>
      %eq3A_1419 = arith.cmpi eq, %select_n3A_1338, %max3A_1412 : vector<16xi32>
      %select_n3A_1420 = arith.select %eq3A_1419, %broadcast_in_dim3A_5, %select_n3A_1338 : vector<16xi1>, vector<16xi32>
      %eq3A_1421 = arith.cmpi eq, %select_n3A_1340, %max3A_1412 : vector<16xi32>
      %select_n3A_1422 = arith.select %eq3A_1421, %broadcast_in_dim3A_5, %select_n3A_1340 : vector<16xi1>, vector<16xi32>
      %eq3A_1423 = arith.cmpi eq, %select_n3A_1342, %max3A_1412 : vector<16xi32>
      %select_n3A_1424 = arith.select %eq3A_1423, %broadcast_in_dim3A_5, %select_n3A_1342 : vector<16xi1>, vector<16xi32>
      %eq3A_1425 = arith.cmpi eq, %select_n3A_1344, %max3A_1412 : vector<16xi32>
      %select_n3A_1426 = arith.select %eq3A_1425, %broadcast_in_dim3A_5, %select_n3A_1344 : vector<16xi1>, vector<16xi32>
      %eq3A_1427 = arith.cmpi eq, %select_n3A_1346, %max3A_1412 : vector<16xi32>
      %select_n3A_1428 = arith.select %eq3A_1427, %broadcast_in_dim3A_5, %select_n3A_1346 : vector<16xi1>, vector<16xi32>
      %eq3A_1429 = arith.cmpi eq, %select_n3A_1348, %max3A_1412 : vector<16xi32>
      %select_n3A_1430 = arith.select %eq3A_1429, %broadcast_in_dim3A_5, %select_n3A_1348 : vector<16xi1>, vector<16xi32>
      %eq3A_1431 = arith.cmpi eq, %select_n3A_1350, %max3A_1412 : vector<16xi32>
      %select_n3A_1432 = arith.select %eq3A_1431, %broadcast_in_dim3A_5, %select_n3A_1350 : vector<16xi1>, vector<16xi32>
      %eq3A_1433 = arith.cmpi eq, %select_n3A_1352, %max3A_1412 : vector<16xi32>
      %select_n3A_1434 = arith.select %eq3A_1433, %broadcast_in_dim3A_5, %select_n3A_1352 : vector<16xi1>, vector<16xi32>
      %eq3A_1435 = arith.cmpi eq, %select_n3A_1354, %max3A_1412 : vector<16xi32>
      %select_n3A_1436 = arith.select %eq3A_1435, %broadcast_in_dim3A_5, %select_n3A_1354 : vector<16xi1>, vector<16xi32>
      %eq3A_1437 = arith.cmpi eq, %select_n3A_1356, %max3A_1412 : vector<16xi32>
      %select_n3A_1438 = arith.select %eq3A_1437, %broadcast_in_dim3A_5, %select_n3A_1356 : vector<16xi1>, vector<16xi32>
      %eq3A_1439 = arith.cmpi eq, %select_n3A_1358, %max3A_1412 : vector<16xi32>
      %select_n3A_1440 = arith.select %eq3A_1439, %broadcast_in_dim3A_5, %select_n3A_1358 : vector<16xi1>, vector<16xi32>
      %eq3A_1441 = arith.cmpi eq, %select_n3A_1360, %max3A_1412 : vector<16xi32>
      %select_n3A_1442 = arith.select %eq3A_1441, %broadcast_in_dim3A_5, %select_n3A_1360 : vector<16xi1>, vector<16xi32>
      %eq3A_1443 = arith.cmpi eq, %select_n3A_1362, %max3A_1412 : vector<16xi32>
      %select_n3A_1444 = arith.select %eq3A_1443, %broadcast_in_dim3A_5, %select_n3A_1362 : vector<16xi1>, vector<16xi32>
      %eq3A_1445 = arith.cmpi eq, %select_n3A_1364, %max3A_1412 : vector<16xi32>
      %select_n3A_1446 = arith.select %eq3A_1445, %broadcast_in_dim3A_5, %select_n3A_1364 : vector<16xi1>, vector<16xi32>
      %eq3A_1447 = arith.cmpi eq, %select_n3A_1366, %max3A_1412 : vector<16xi32>
      %select_n3A_1448 = arith.select %eq3A_1447, %broadcast_in_dim3A_5, %select_n3A_1366 : vector<16xi1>, vector<16xi32>
      %eq3A_1449 = arith.cmpi eq, %select_n3A_1368, %max3A_1412 : vector<16xi32>
      %select_n3A_1450 = arith.select %eq3A_1449, %broadcast_in_dim3A_5, %select_n3A_1368 : vector<16xi1>, vector<16xi32>
      %eq3A_1451 = arith.cmpi eq, %select_n3A_1370, %max3A_1412 : vector<16xi32>
      %select_n3A_1452 = arith.select %eq3A_1451, %broadcast_in_dim3A_5, %select_n3A_1370 : vector<16xi1>, vector<16xi32>
      %eq3A_1453 = arith.cmpi eq, %select_n3A_1372, %max3A_1412 : vector<16xi32>
      %select_n3A_1454 = arith.select %eq3A_1453, %broadcast_in_dim3A_5, %select_n3A_1372 : vector<16xi1>, vector<16xi32>
      %eq3A_1455 = arith.cmpi eq, %select_n3A_1374, %max3A_1412 : vector<16xi32>
      %select_n3A_1456 = arith.select %eq3A_1455, %broadcast_in_dim3A_5, %select_n3A_1374 : vector<16xi1>, vector<16xi32>
      %eq3A_1457 = arith.cmpi eq, %select_n3A_1376, %max3A_1412 : vector<16xi32>
      %select_n3A_1458 = arith.select %eq3A_1457, %broadcast_in_dim3A_5, %select_n3A_1376 : vector<16xi1>, vector<16xi32>
      %eq3A_1459 = arith.cmpi eq, %select_n3A_1378, %max3A_1412 : vector<16xi32>
      %select_n3A_1460 = arith.select %eq3A_1459, %broadcast_in_dim3A_5, %select_n3A_1378 : vector<16xi1>, vector<16xi32>
      %broadcast_in_dim3A_1461 = arith.constant -32 : i32
      %broadcast_in_dim3A_1462 = vector.broadcast %broadcast_in_dim3A_1461 : i32 to vector<16xi32>
      %and3A_1463 = arith.andi %max3A_1412, %broadcast_in_dim3A_1462 : vector<16xi32>
      %broadcast_in_dim3A_1464 = arith.constant 31 : i32
      %broadcast_in_dim3A_1465 = vector.broadcast %broadcast_in_dim3A_1464 : i32 to vector<16xi32>
      %shift_right_arithmetic3A_1466 = arith.shrsi %and3A_1463, %broadcast_in_dim3A_1465 : vector<16xi32>
      %broadcast_in_dim3A_1467 = arith.constant 2147483647 : i32
      %broadcast_in_dim3A_1468 = vector.broadcast %broadcast_in_dim3A_1467 : i32 to vector<16xi32>
      %and3A_1469 = arith.andi %shift_right_arithmetic3A_1466, %broadcast_in_dim3A_1468 : vector<16xi32>
      %xor3A_1470 = arith.xori %and3A_1463, %and3A_1469 : vector<16xi32>
      %bitcast_convert_type3A_1471 = tpu.bitcast %xor3A_1470 : vector<16xi32> -> vector<16xf32>
      %sub3A = arith.subf %bitcast_convert_type3A_897, %bitcast_convert_type3A_897 : vector<16xf32>
      %exp3A = math.exp %sub3A : vector<16xf32>
      %sub3A_1472 = arith.subf %bitcast_convert_type3A_979, %bitcast_convert_type3A_897 : vector<16xf32>
      %exp3A_1473 = math.exp %sub3A_1472 : vector<16xf32>
      %sub3A_1474 = arith.subf %bitcast_convert_type3A_1061, %bitcast_convert_type3A_897 : vector<16xf32>
      %exp3A_1475 = math.exp %sub3A_1474 : vector<16xf32>
      %sub3A_1476 = arith.subf %bitcast_convert_type3A_1143, %bitcast_convert_type3A_897 : vector<16xf32>
      %exp3A_1477 = math.exp %sub3A_1476 : vector<16xf32>
      %sub3A_1478 = arith.subf %bitcast_convert_type3A_1225, %bitcast_convert_type3A_897 : vector<16xf32>
      %exp3A_1479 = math.exp %sub3A_1478 : vector<16xf32>
      %sub3A_1480 = arith.subf %bitcast_convert_type3A_1307, %bitcast_convert_type3A_897 : vector<16xf32>
      %exp3A_1481 = math.exp %sub3A_1480 : vector<16xf32>
      %sub3A_1482 = arith.subf %bitcast_convert_type3A_1389, %bitcast_convert_type3A_897 : vector<16xf32>
      %exp3A_1483 = math.exp %sub3A_1482 : vector<16xf32>
      %sub3A_1484 = arith.subf %bitcast_convert_type3A_1471, %bitcast_convert_type3A_897 : vector<16xf32>
      %exp3A_1485 = math.exp %sub3A_1484 : vector<16xf32>
      %add3A_1486 = arith.addf %exp3A, %exp3A_1473 : vector<16xf32>
      %add3A_1487 = arith.addf %add3A_1486, %exp3A_1475 : vector<16xf32>
      %add3A_1488 = arith.addf %add3A_1487, %exp3A_1477 : vector<16xf32>
      %add3A_1489 = arith.addf %add3A_1488, %exp3A_1479 : vector<16xf32>
      %add3A_1490 = arith.addf %add3A_1489, %exp3A_1481 : vector<16xf32>
      %add3A_1491 = arith.addf %add3A_1490, %exp3A_1483 : vector<16xf32>
      %add3A_1492 = arith.addf %add3A_1491, %exp3A_1485 : vector<16xf32>
      %broadcast_in_dim3A_1493 = arith.constant 0 : i32
      %broadcast_in_dim3A_1494 = vector.broadcast %broadcast_in_dim3A_1493 : i32 to vector<16xi32>
      %div3A = arith.divf %exp3A, %add3A_1492 : vector<16xf32>
      tpu.vector_store_idx %arg7[%add3A_15, %broadcast_in_dim3A_1494], %div3A : memref<256x8xf32, #tpu.memory_space<vmem>>[vector<16xi32>, vector<16xi32>], vector<16xf32>,
      %broadcast_in_dim3A_1495 = arith.constant 1 : i32
      %broadcast_in_dim3A_1496 = vector.broadcast %broadcast_in_dim3A_1495 : i32 to vector<16xi32>
      %div3A_1497 = arith.divf %exp3A_1473, %add3A_1492 : vector<16xf32>
      tpu.vector_store_idx %arg7[%add3A_15, %broadcast_in_dim3A_1496], %div3A_1497 : memref<256x8xf32, #tpu.memory_space<vmem>>[vector<16xi32>, vector<16xi32>], vector<16xf32>,
      %broadcast_in_dim3A_1498 = arith.constant 2 : i32
      %broadcast_in_dim3A_1499 = vector.broadcast %broadcast_in_dim3A_1498 : i32 to vector<16xi32>
      %div3A_1500 = arith.divf %exp3A_1475, %add3A_1492 : vector<16xf32>
      tpu.vector_store_idx %arg7[%add3A_15, %broadcast_in_dim3A_1499], %div3A_1500 : memref<256x8xf32, #tpu.memory_space<vmem>>[vector<16xi32>, vector<16xi32>], vector<16xf32>,
      %broadcast_in_dim3A_1501 = arith.constant 3 : i32
      %broadcast_in_dim3A_1502 = vector.broadcast %broadcast_in_dim3A_1501 : i32 to vector<16xi32>
      %div3A_1503 = arith.divf %exp3A_1477, %add3A_1492 : vector<16xf32>
      tpu.vector_store_idx %arg7[%add3A_15, %broadcast_in_dim3A_1502], %div3A_1503 : memref<256x8xf32, #tpu.memory_space<vmem>>[vector<16xi32>, vector<16xi32>], vector<16xf32>,
      %broadcast_in_dim3A_1504 = arith.constant 4 : i32
      %broadcast_in_dim3A_1505 = vector.broadcast %broadcast_in_dim3A_1504 : i32 to vector<16xi32>
      %div3A_1506 = arith.divf %exp3A_1479, %add3A_1492 : vector<16xf32>
      tpu.vector_store_idx %arg7[%add3A_15, %broadcast_in_dim3A_1505], %div3A_1506 : memref<256x8xf32, #tpu.memory_space<vmem>>[vector<16xi32>, vector<16xi32>], vector<16xf32>,
      %broadcast_in_dim3A_1507 = arith.constant 5 : i32
      %broadcast_in_dim3A_1508 = vector.broadcast %broadcast_in_dim3A_1507 : i32 to vector<16xi32>
      %div3A_1509 = arith.divf %exp3A_1481, %add3A_1492 : vector<16xf32>
      tpu.vector_store_idx %arg7[%add3A_15, %broadcast_in_dim3A_1508], %div3A_1509 : memref<256x8xf32, #tpu.memory_space<vmem>>[vector<16xi32>, vector<16xi32>], vector<16xf32>,
      %broadcast_in_dim3A_1510 = arith.constant 6 : i32
      %broadcast_in_dim3A_1511 = vector.broadcast %broadcast_in_dim3A_1510 : i32 to vector<16xi32>
      %div3A_1512 = arith.divf %exp3A_1483, %add3A_1492 : vector<16xf32>
      tpu.vector_store_idx %arg7[%add3A_15, %broadcast_in_dim3A_1511], %div3A_1512 : memref<256x8xf32, #tpu.memory_space<vmem>>[vector<16xi32>, vector<16xi32>], vector<16xf32>,
      %broadcast_in_dim3A_1513 = arith.constant 7 : i32
      %broadcast_in_dim3A_1514 = vector.broadcast %broadcast_in_dim3A_1513 : i32 to vector<16xi32>
      %div3A_1515 = arith.divf %exp3A_1485, %add3A_1492 : vector<16xf32>
      tpu.vector_store_idx %arg7[%add3A_15, %broadcast_in_dim3A_1514], %div3A_1515 : memref<256x8xf32, #tpu.memory_space<vmem>>[vector<16xi32>, vector<16xi32>], vector<16xf32>,
    }
    %scan3A_10 = arith.constant 16 : i32
    "tpu.region"() ({
      %run_scoped3A = tpu.sem_alloc : memref<!tpu.dma_semaphore, #tpu.memory_space<semaphore_mem>>
      %dma_start3A = arith.constant 0 : i32
      %dma_start3A_11 = tpu.memref_slice %arg4[%mul3A_2, %dma_start3A] : memref<8192x8xf32, #tpu.memory_space<hbm>> -> memref<256x8xf32, #tpu.memory_space<hbm>>
      %dma_start3A_12 = arith.constant 0 : i32
      %dma_start3A_13 = tpu.memref_slice %arg4[%mul3A_2, %dma_start3A_12] : memref<8192x8xf32, #tpu.memory_space<hbm>> -> memref<256x8xf32, #tpu.memory_space<hbm>>
      tpu.enqueue_dma source(%arg7 : memref<256x8xf32, #tpu.memory_space<vmem>>) target(%dma_start3A_13 : memref<256x8xf32, #tpu.memory_space<hbm>>) target_semaphore(%run_scoped3A : memref<!tpu.dma_semaphore, #tpu.memory_space<semaphore_mem>>)
      %dma_wait3A = arith.constant 0 : i32
      %dma_wait3A_14 = tpu.memref_slice %arg4[%mul3A_2, %dma_wait3A] : memref<8192x8xf32, #tpu.memory_space<hbm>> -> memref<256x8xf32, #tpu.memory_space<hbm>>
      %dma_wait3A_15 = arith.constant 0 : i32
      %dma_wait3A_16 = tpu.memref_slice %arg4[%mul3A_2, %dma_wait3A_15] : memref<8192x8xf32, #tpu.memory_space<hbm>> -> memref<256x8xf32, #tpu.memory_space<hbm>>
      tpu.wait_dma2 semaphore(%run_scoped3A : memref<!tpu.dma_semaphore, #tpu.memory_space<semaphore_mem>>) src(%arg7 : memref<256x8xf32, #tpu.memory_space<vmem>>) dst(%dma_wait3A_16 : memref<256x8xf32, #tpu.memory_space<hbm>>)
      tpu.yield
    }) : () -> ()
    return
  }
}

module attributes {stable_mosaic.version = 14 : i64} {
  func.func @_logits_body(%arg0: i32, %arg1: memref<1024x2048xf32, #tpu.memory_space<vmem>>, %arg2: memref<64x2048xf32, #tpu.memory_space<vmem>>, %arg3: memref<1024x64xf32, #tpu.memory_space<vmem>>, %arg4: memref<1024x8xf32, #tpu.memory_space<vmem>>) attributes {dimension_semantics = [#tpu.dimension_semantics<arbitrary>], iteration_bounds = array<i64: 8>, scalar_prefetch = 0 : i64, scratch_operands = 0 : i64, tpu.core_type = #tpu.core_type<tc>, window_params = [{transform_indices = @transform_0, window_bounds = array<i64: 1024, 2048>}, {pipeline_mode = #tpu.pipeline_mode<synchronous>, transform_indices = @transform_1, window_bounds = array<i64: 64, 2048>}, {transform_indices = @transform_2, window_bounds = array<i64: 1024, 64>}, {transform_indices = @transform_3, window_bounds = array<i64: 1024, 8>}]} {
    %get3A = arith.constant 0 : index
    %get3A_0 = arith.constant 0 : index
    %get3A_1 = vector.load %arg1[%get3A, %get3A_0] : memref<1024x2048xf32, #tpu.memory_space<vmem>>, vector<1024x2048xf32>
    %get3A_2 = arith.constant 0 : index
    %get3A_3 = arith.constant 0 : index
    %get3A_4 = vector.load %arg2[%get3A_2, %get3A_3] : memref<64x2048xf32, #tpu.memory_space<vmem>>, vector<64x2048xf32>
    %dot_general3A = arith.constant dense<0.000000e+00> : vector<1024x64xf32>
    %dot_general3A_5 = tpu.matmul %get3A_1, %get3A_4, %dot_general3A {dimension_numbers = #tpu.dot_dimension_numbers<[1], [1], [0], [0], [0, 0, 1, 0], [], []>, transpose_lhs_hint = false} : vector<1024x2048xf32>, vector<64x2048xf32>, vector<1024x64xf32> -> vector<1024x64xf32>
    %swap3A = arith.constant 0 : index
    %swap3A_6 = arith.constant 0 : index
    %swap3A_7 = vector.load %arg3[%swap3A, %swap3A_6] : memref<1024x64xf32, #tpu.memory_space<vmem>>, vector<1024x64xf32>
    tpu.vector_store %arg3[%swap3A, %swap3A_6], %dot_general3A_5 {strides = array<i32>} : memref<1024x64xf32, #tpu.memory_space<vmem>>, vector<1024x64xf32>,
    %slice3A = vector.extract_strided_slice %dot_general3A_5 {offsets = [0, 0], sizes = [1024, 8], strides = [1, 1]} : vector<1024x64xf32> to vector<1024x8xf32>
    %reduce_max3A = arith.constant dense<0xFF800000> : vector<1024xf32>
    %reduce_max3A_8 = vector.multi_reduction <maximumf>, %slice3A, %reduce_max3A [1] : vector<1024x8xf32> to vector<1024xf32>
    %broadcast_in_dim3A = vector.shape_cast %reduce_max3A_8 : vector<1024xf32> to vector<1024x1xf32>
    %slice3A_9 = vector.extract_strided_slice %dot_general3A_5 {offsets = [0, 8], sizes = [1024, 8], strides = [1, 1]} : vector<1024x64xf32> to vector<1024x8xf32>
    %reduce_max3A_10 = arith.constant dense<0xFF800000> : vector<1024xf32>
    %reduce_max3A_11 = vector.multi_reduction <maximumf>, %slice3A_9, %reduce_max3A_10 [1] : vector<1024x8xf32> to vector<1024xf32>
    %broadcast_in_dim3A_12 = vector.shape_cast %reduce_max3A_11 : vector<1024xf32> to vector<1024x1xf32>
    %slice3A_13 = vector.extract_strided_slice %dot_general3A_5 {offsets = [0, 16], sizes = [1024, 8], strides = [1, 1]} : vector<1024x64xf32> to vector<1024x8xf32>
    %reduce_max3A_14 = arith.constant dense<0xFF800000> : vector<1024xf32>
    %reduce_max3A_15 = vector.multi_reduction <maximumf>, %slice3A_13, %reduce_max3A_14 [1] : vector<1024x8xf32> to vector<1024xf32>
    %broadcast_in_dim3A_16 = vector.shape_cast %reduce_max3A_15 : vector<1024xf32> to vector<1024x1xf32>
    %slice3A_17 = vector.extract_strided_slice %dot_general3A_5 {offsets = [0, 24], sizes = [1024, 8], strides = [1, 1]} : vector<1024x64xf32> to vector<1024x8xf32>
    %reduce_max3A_18 = arith.constant dense<0xFF800000> : vector<1024xf32>
    %reduce_max3A_19 = vector.multi_reduction <maximumf>, %slice3A_17, %reduce_max3A_18 [1] : vector<1024x8xf32> to vector<1024xf32>
    %broadcast_in_dim3A_20 = vector.shape_cast %reduce_max3A_19 : vector<1024xf32> to vector<1024x1xf32>
    %slice3A_21 = vector.extract_strided_slice %dot_general3A_5 {offsets = [0, 32], sizes = [1024, 8], strides = [1, 1]} : vector<1024x64xf32> to vector<1024x8xf32>
    %reduce_max3A_22 = arith.constant dense<0xFF800000> : vector<1024xf32>
    %reduce_max3A_23 = vector.multi_reduction <maximumf>, %slice3A_21, %reduce_max3A_22 [1] : vector<1024x8xf32> to vector<1024xf32>
    %broadcast_in_dim3A_24 = vector.shape_cast %reduce_max3A_23 : vector<1024xf32> to vector<1024x1xf32>
    %slice3A_25 = vector.extract_strided_slice %dot_general3A_5 {offsets = [0, 40], sizes = [1024, 8], strides = [1, 1]} : vector<1024x64xf32> to vector<1024x8xf32>
    %reduce_max3A_26 = arith.constant dense<0xFF800000> : vector<1024xf32>
    %reduce_max3A_27 = vector.multi_reduction <maximumf>, %slice3A_25, %reduce_max3A_26 [1] : vector<1024x8xf32> to vector<1024xf32>
    %broadcast_in_dim3A_28 = vector.shape_cast %reduce_max3A_27 : vector<1024xf32> to vector<1024x1xf32>
    %slice3A_29 = vector.extract_strided_slice %dot_general3A_5 {offsets = [0, 48], sizes = [1024, 8], strides = [1, 1]} : vector<1024x64xf32> to vector<1024x8xf32>
    %reduce_max3A_30 = arith.constant dense<0xFF800000> : vector<1024xf32>
    %reduce_max3A_31 = vector.multi_reduction <maximumf>, %slice3A_29, %reduce_max3A_30 [1] : vector<1024x8xf32> to vector<1024xf32>
    %broadcast_in_dim3A_32 = vector.shape_cast %reduce_max3A_31 : vector<1024xf32> to vector<1024x1xf32>
    %slice3A_33 = vector.extract_strided_slice %dot_general3A_5 {offsets = [0, 56], sizes = [1024, 8], strides = [1, 1]} : vector<1024x64xf32> to vector<1024x8xf32>
    %reduce_max3A_34 = arith.constant dense<0xFF800000> : vector<1024xf32>
    %reduce_max3A_35 = vector.multi_reduction <maximumf>, %slice3A_33, %reduce_max3A_34 [1] : vector<1024x8xf32> to vector<1024xf32>
    %broadcast_in_dim3A_36 = vector.shape_cast %reduce_max3A_35 : vector<1024xf32> to vector<1024x1xf32>
    %concatenate3A = tpu.concatenate %broadcast_in_dim3A, %broadcast_in_dim3A_12, %broadcast_in_dim3A_16, %broadcast_in_dim3A_20, %broadcast_in_dim3A_24, %broadcast_in_dim3A_28, %broadcast_in_dim3A_32, %broadcast_in_dim3A_36 in 1 : vector<1024x1xf32>, vector<1024x1xf32>, vector<1024x1xf32>, vector<1024x1xf32>, vector<1024x1xf32>, vector<1024x1xf32>, vector<1024x1xf32>, vector<1024x1xf32> -> vector<1024x8xf32>
    %swap3A_37 = arith.constant 0 : index
    %swap3A_38 = arith.constant 0 : index
    %swap3A_39 = vector.load %arg4[%swap3A_37, %swap3A_38] : memref<1024x8xf32, #tpu.memory_space<vmem>>, vector<1024x8xf32>
    tpu.vector_store %arg4[%swap3A_37, %swap3A_38], %concatenate3A {strides = array<i32>} : memref<1024x8xf32, #tpu.memory_space<vmem>>, vector<1024x8xf32>,
    return
  }
  func.func @transform_0(%arg0: i32) -> (i32, i32) {
    %c0_i32 = arith.constant 0 : i32
    %c0_i32_0 = arith.constant 0 : i32
    return %arg0, %c0_i32 : i32, i32
  }
  func.func @transform_1(%arg0: i32) -> (i32, i32) {
    %c0_i32 = arith.constant 0 : i32
    %c0_i32_0 = arith.constant 0 : i32
    %c0_i32_1 = arith.constant 0 : i32
    return %c0_i32, %c0_i32_0 : i32, i32
  }
  func.func @transform_2(%arg0: i32) -> (i32, i32) {
    %c0_i32 = arith.constant 0 : i32
    %c0_i32_0 = arith.constant 0 : i32
    return %arg0, %c0_i32 : i32, i32
  }
  func.func @transform_3(%arg0: i32) -> (i32, i32) {
    %c0_i32 = arith.constant 0 : i32
    %c0_i32_0 = arith.constant 0 : i32
    return %arg0, %c0_i32 : i32, i32
  }
}

</mosaic_0001>

<sc_bundles>
// kernel: kernel.5.cloned.1.call-start
scs
__scs_entry_jumppad:
0x0: {  	(pc) =	sbr.rel $0x88, $3  }
0x1: {  	(tag) =	ssettag $0x0;
	lr =	simm.s32 $0x1  }
0x2: {  	[smem:$0x3F9F] =	sst lr;
	_ =	strace $0xD0000000  }
0x3: {  	_ = 	snop  }
0x4: {  	_ = 	snop  }
0x5: {  	_ = 	snop  }
0x6: {  	_ = 	snop  }
0x7: {  	_ = 	snop  }
__scs_overlays_trampoline_lowered:
0x8: {  	[smem:$0x3FAE] =	sst s0  }
0x9: {  	[smem:$0x3FAF] =	sst s1  }
0xa: {  	[smem:$0x3FB0] =	sst s2  }
0xb: {  	[smem:$0x3FB1] =	sst s3  }
0xc: {  	[smem:$0x3FB2] =	sst s4  }
0xd: {  	[smem:$0x3FB3] =	sst s5  }
0xe: {  	[smem:$0x3FB4] =	sst s6  }
0xf: {  	[smem:$0x3FB5] =	sst s7  }
0x10: {  	[smem:$0x3FB6] =	sst s8  }
0x11: {  	[smem:$0x3FB7] =	sst s9;
	s0 =	simm.s32 @!p0 $0x0  }
0x12: {  	s1 =	sld [smem:$0x3F9D];
	s0 =	simm.s32 @p0 $0x1  }
0x13: {  	[smem:$0x3FB8] =	sst s0;
	s0 =	simm.s32 @!p1 $0x0  }
0x14: {  	s2 =	sld [smem:$0x3F9C];
	s0 =	simm.s32 @p1 $0x1  }
0x15: {  	[smem:$0x3FB9] =	sst s0;
	s0 =	simm.s32 @!p2 $0x0  }
0x16: {  	s3 =	sld [smem:$0x3FDB];
	s0 =	simm.s32 @p2 $0x1  }
0x17: {  	s4 =	simm.s32 $0x1BF5;
	[smem:$0x3FBB] =	sst s0  }
0x18: {  	s0 =	sld [smem:$0x3F9E];
	_ =	swait.ge [sflag:s4], $0x0  }
0x19: {  	s7 =	sld [smem:$0x3F9F]  }
0x1a: {  	s8 =	sadd.s32 $0xFFFFE003, lr  }
0x1b: {  	s9 =	sadd.s32 $0xFFFFFEF7, lr;
	s5 =	simm.s32 $0xFFFFFFFF;
	p2 =	slt.u32 s8, $0xFFFFF086  }
0x1c: {  	p1 =	slt.u32 s9, $0xF7A;
	s5 =	simm.s32 @!p2 $0x0  }
0x1d: {  	s5 =	simm.s32 @p1 $0x1;
	p0 =	seq.s32 s7, s2  }
0x1e: {  	s7 =	smul.u32 @!p0 $0xF7A, s2;
	p2 =	seq.s32 @!p0 s5, $0x0  }
0x1f: {  	s9 =	smul.u32 $0xF7A, s1;
	s8 =	simm.s32 @!p0 $0x1BF5;
	p2 =	por !p2, p0  }
0x20: {  	[sflag:s8] =	ssyncset.s32 @!p0 $0xFFFFF086;
	s6 =	sadd.s32 @!p0 s3, s7;
	s7 =	simm.s32 @!p0 $0x108  }
0x21: {  	s3 =	sadd.s32 s3, s9;
	s6 =	sadd.s32 @!p0 $0x88, s6;
	s7 =	simm.s32 @p2 $0x1082  }
0x22: {  	[simem:s7], [sflag:s8] =	dma.local @!p0 [hbm:s6], $0xF7A  }
0x23: {  	s9 =	sor.u32 $0xD0000000, s2;
	s6 =	simm.s32 $0x108;
	_ =	swait.ge @!p0 [sflag:s8], $0x0  }
0x24: {  	s3 =	sadd.s32 $0x88, s3;
	s6 =	simm.s32 @!p1 $0x1082;
	[sflag:s4] =	ssyncset.s32 $0xFFFFF086  }
0x25: {  	[simem:s6], [sflag:s4] =	dma.local [hbm:s3], $0xF7A  }
0x26: {  	[smem:$0x3F9F] =	sst s1;
	(tag) =	ssettag s2;
	_ =	strace s9  }
0x27: {  	s1 =	sld [smem:$0x3FAF]  }
0x28: {  	s2 =	sld [smem:$0x3FB0]  }
0x29: {  	s4 =	sld [smem:$0x3FB2]  }
0x2a: {  	p0 =	seq.s32 s5, $0x0;
	s5 =	sld [smem:$0x3FB3]  }
0x2b: {  	s6 =	sld [smem:$0x3FB4]  }
0x2c: {  	s7 =	sld [smem:$0x3FB5]  }
0x2d: {  	s3 =	simm.s32 $0x108;
	s8 =	sld [smem:$0x3FB6]  }
0x2e: {  	s3 =	simm.s32 @!p0 $0x1082;
	s9 =	sld [smem:$0x3FB7]  }
0x2f: {  	lr =	sadd.s32 s0, s3;
	s0 =	sld [smem:$0x3FAE]  }
0x30: {  	s3 =	sld [smem:$0x3FB1]  }
0x31: {  	[smem:$0x3FBA] =	sst s10  }
0x32: {  	s10 =	sld [smem:$0x3FB8];
	_ =	sdelay $0x3  }
0x33: {  	p0 =	seq.s32 s10, $0x1;
	s10 =	sld [smem:$0x3FBA];
	_ =	sdelay $0x3  }
0x34: {  	[smem:$0x3FBA] =	sst s10  }
0x35: {  	s10 =	sld [smem:$0x3FB9];
	_ =	sdelay $0x3  }
0x36: {  	p1 =	seq.s32 s10, $0x1;
	s10 =	sld [smem:$0x3FBA];
	_ =	sdelay $0x3  }
0x37: {  	[smem:$0x3FBA] =	sst s10  }
0x38: {  	s10 =	sld [smem:$0x3FBB]  }
0x39: {  	_ = 	snop;
	(pc) =	sbr.ind lr, $3  }
0x3a: {  	_ = 	snop  }
0x3b: {  	_ = 	snop  }
0x3c: {  	p2 =	seq.s32 s10, $0x1;
	s10 =	sld [smem:$0x3FBA]  }
0x3d: {  	_ =	shalt  }
0x3e: {  	_ =	shalt  }
0x3f: {  	_ =	shalt  }
0x40: {  	_ =	shalt  }
0x41: {  	_ =	shalt  }
0x42: {  	_ =	shalt  }
0x43: {  	_ =	shalt  }
0x44: {  	_ =	shalt  }
0x45: {  	_ =	shalt  }
0x46: {  	_ =	shalt  }
0x47: {  	_ =	shalt  }
0x48: {  	_ =	shalt  }
0x49: {  	_ =	shalt  }
0x4a: {  	_ =	shalt  }
0x4b: {  	_ =	shalt  }
0x4c: {  	_ =	shalt  }
0x4d: {  	_ =	shalt  }
0x4e: {  	_ =	shalt  }
0x4f: {  	_ =	shalt  }
0x50: {  	_ =	shalt  }
0x51: {  	_ =	shalt  }
0x52: {  	_ =	shalt  }
0x53: {  	_ =	shalt  }
0x54: {  	_ =	shalt  }
0x55: {  	_ =	shalt  }
0x56: {  	_ =	shalt  }
0x57: {  	_ =	shalt  }
0x58: {  	_ =	shalt  }
0x59: {  	_ =	shalt  }
0x5a: {  	_ =	shalt  }
0x5b: {  	_ =	shalt  }
0x5c: {  	_ =	shalt  }
0x5d: {  	_ =	shalt  }
0x5e: {  	_ =	shalt  }
0x5f: {  	_ =	shalt  }
0x60: {  	_ =	shalt  }
0x61: {  	_ =	shalt  }
0x62: {  	_ =	shalt  }
0x63: {  	_ =	shalt  }
0x64: {  	_ =	shalt  }
0x65: {  	_ =	shalt  }
0x66: {  	_ =	shalt  }
0x67: {  	_ =	shalt  }
0x68: {  	_ =	shalt  }
0x69: {  	_ =	shalt  }
0x6a: {  	_ =	shalt  }
0x6b: {  	_ =	shalt  }
0x6c: {  	_ =	shalt  }
0x6d: {  	_ =	shalt  }
0x6e: {  	_ =	shalt  }
0x6f: {  	_ =	shalt  }
0x70: {  	_ =	shalt  }
0x71: {  	_ =	shalt  }
0x72: {  	_ =	shalt  }
0x73: {  	_ =	shalt  }
0x74: {  	_ =	shalt  }
0x75: {  	_ =	shalt  }
0x76: {  	_ =	shalt  }
0x77: {  	_ =	shalt  }
0x78: {  	_ =	shalt  }
0x79: {  	_ =	shalt  }
0x7a: {  	_ =	shalt  }
0x7b: {  	_ =	shalt  }
0x7c: {  	_ =	shalt  }
0x7d: {  	_ =	shalt  }
0x7e: {  	_ =	shalt  }
0x7f: {  	_ =	shalt  }
0x80: {  	_ =	shalt  }
0x81: {  	_ =	shalt  }
0x82: {  	_ =	shalt  }
0x83: {  	_ =	shalt  }
0x84: {  	_ =	shalt  }
0x85: {  	_ =	shalt  }
0x86: {  	_ =	shalt  }
0x87: {  	_ =	shalt  }
.Lfunc_end0:
.L_simem_size_0:
called_computation_lowered:
.L_overlay_start_0:
0x88: {  	s2 =	sld [smem:$0x3FD9]  }
0x89: {  	s3 =	sld [smem:$0x3FFE];
	_ =	sdelay $0x1  }
0x8a: {  	s1 =	srdreg.scid  }
0x8b: {  	s0 =	sand.u32 $0x1, s1  }
0x8c: {  	s16 =	sshll.u32 s0, $0xA;
	s2 =	sadd.s32 s3, s2  }
0x8d: {  	s2 =	sadd.s32 s2, s16  }
0x8e: {  	[smem:$0x3FC6] =	sst s2  }
0x8f: {  	_ = 	snop  }
0x90: {  	(tm) =	ssettm $0x1  }
0x91: {  	s17 =	sld [smem:$0x3FFB];
	_ =	sdelay $0x3  }
0x92: {  	_ =	strace s17  }
0x93: {  	s2 =	sld [smem:$0x3FFC];
	_ =	sdelay $0x3  }
0x94: {  	_ =	strace s2  }
0x95: {  	s2 =	sld [smem:$0x3FFD];
	_ =	sdelay $0x3  }
0x96: {  	_ =	strace s2  }
0x97: {  	_ =	strace $0x8FFFFFFF  }
0x98: {  	s18 =	sld [smem:$0x3FDB];
	_ =	sdelay $0x1  }
0x99: {  	s19 =	simm.s32 $_scs_section_size  }
0x9a: {  	s4 =	simm.s32 $_size__tile_overlayer_lowered;
	s5 =	simm.s32 $_tile_overlayer_lowered  }
0x9b: {  	s22 =	simm.s32 $0x1BFF;
	s21 =	sshll.u32 s5, $0x1;
	s2 =	sadd.s32 s19, s18  }
0x9c: {  	s6 =	simm.s32 $0x0;
	s20 =	sshll.u32 s4, $0x1;
	s4 =	sadd.s32 s21, s2  }
0x9d: {  	[timem:s6], [sflag:s22] =	dma.local [hbm:s4], s20  }
0x9e: {  	_ =	swait.ge [sflag:s22], s20  }
0x9f: {  	s3 =	ssub.s32 $0x0, s20;
	[sflag:s22] =	ssyncset.done $0x0  }
0xa0: {  	[sflag:s22] =	ssyncadd.s32 s3;
	_ =	sdelay $0x1  }
0xa1: {  	s23 =	simm.s32 $0x1B8B  }
0xa2: {  	_ =	swait.ge [sflag:s23], $0x1  }
0xa3: {  	[sflag:s23] =	ssyncset.done $0x0  }
0xa4: {  	s25 =	simm.s32 $0x1B8E;
	s24 =	sld [smem:$0x3FFE];
	[sflag:s23] =	ssyncadd.s32 $0xFFFFFFFF  }
0xa5: {  	s26 =	simm.s32 $execute0_lowered;
	[smem:$0x3FD2] =	sst s25  }
0xa6: {  	s4 =	sshll.u32 s26, $0x1;
	_ =	strace $0x80000046;
	[dreg:$0x1] =	wrdreg $0xFFFFFFFF  }
0xa7: {  	s28 =	simm.s32 $_size_execute0_lowered;
	s2 =	sadd.s32 s2, s4;
	[dreg:$0x0] =	wrdreg $0x0  }
0xa8: {  	s4 =	sshll.u32 s28, $0x1;
	[dreg:$0x2] =	wrdreg s2  }
0xa9: {  	[dreg:$0x3] =	wrdreg s4  }
0xaa: {  	[dreg:$0x4] =	wrdreg $0xC0  }
0xab: {  	_ =	task [dreg:s6], $0x5FFFF  }
0xac: {  	[dreg:$0x1] =	wrdreg $0xFFFFFFFF  }
0xad: {  	[dreg:$0x0] =	wrdreg $0x60  }
0xae: {  	[dreg:$0x2] =	wrdreg s24  }
0xaf: {  	[dreg:$0x3] =	wrdreg $0x9  }
0xb0: {  	_ =	task.clear_ibuf [dreg:s6], $0x4FFFF;
	_ =	strace $0x90000046  }
0xb1: {  	s29 =	simm.s32 $0x9;
	_ =	strace $0x80000048  }
0xb2: {  	_ =	swait.ge [sflag:s29], $0x1  }
0xb3: {  	[sflag:s29] =	ssyncadd.s32 $0xFFFFFFFF  }
0xb4: {  	_ =	strace $0x90000048  }
0xb5: {  	_ =	sfence  }
0xb6: {  	s30 =	sld [smem:$0x0];
	_ =	sdelay $0x2  }
0xb7: {  	s31 =	sshll.u32 s1, $0xD;
	s1 =	sshrl.u32 s1, $0x2  }
0xb8: {  	s3 =	sand.u32 $0x4000, s31;
	s1 =	sadd.s32 s1, s30  }
0xb9: {  	s0 =	sor.u32 s3, s0;
	s1 =	sshll.u32 s1, $0x11  }
0xba: {  	s0 =	sor.u32 s1, s0  }
0xbb: {  	s0 =	sadd.s32 $0x8F2B, s0  }
0xbc: {  	[sflag:s0] =	ssyncadd.remote.s32 $0x1  }
0xbd: {  	_ =	sfence.sel $0xFFFF  }
0xbe: {  	[dreg:$0x0] =	wrdreg $0xFFFFFFFF;
	(pc) =	sbr.abs _section_cstart, $3  }
0xbf: {  	[dreg:$0x1] =	wrdreg $0xFFFFFFFF  }
0xc0: {  	_ =	task.clear_ibuf [dreg:s6], $0x2FFFF;
	_ =	strace $0x9FFFFFFF  }
0xc1: {  	(tm) =	ssettm $0x7FFFFFFF  }
tec
execute0_lowered:
.L_overlay_start_1:
0x0: {  	(tag) =	ssettag $0x1  }
0x1: {  	s3 =	rddreg [dreg:$0x0];
	s2 =	srdreg.scid  }
0x2: {  	s0 =	rddreg [dreg:$0x1];
	s1 =	stileid.u32;
	s7 =	simm.s32 $0x1  }
0x3: {  	s8 =	simm.s32 $0x8000;
	s9 =	simm.s32 $0x10000;
	s4 =	sand.u32 $0x1, s2  }
0x4: {  	s10 =	simm.s32 $0x0;
	s5 =	sshll.u32 s1, $0xD;
	s6 =	sshll.u32 s4, $0xC  }
0x5: {  	s2 =	simm.s32 $0x0;
	s4 =	ssub.s32 $0x2, s4;
	s5 =	sor.u32 s6, s5  }
0x6: {  	[smem:$0x7FF] =	sst s2;
	s30 =	sshrl.u32 s4, $0x1;
	s5 =	sadd.s32 s5, s3  }
0x7: {  	v0 =	vlaneseq.u32;
	_ =	strace $0x80000047;
	s31 =	ssub.s32 s4, s30;
	s3 =	sadd.s32 $0xC00, s5  }
0x8: {  	v1 =	vimm.s32 $0x8;
	v2 =	vimm.s32 $0x40;
	v0 =	vmul.u32 $0x80, v0;
	s4 =	sadd.s32 $0x20C00, s5;
	s5 =	sadd.s32 $0x40C00, s5;
	s6 =	smax.u32 s31, $0x1  }
.LBB2_1:
0x9: {  	[tilespmem:s2], [sflag:$0x1] =	stream.linear.gather [hbm4b:s3+s2], $0x8000, $0x38;
	[tilespmem:$0x18000] =	vst v63  }
0xa: {  	_ =	swait.ge [sflag:s7], $0x8000  }
0xb: {  	[sflag:s7] =	ssyncset.done $0x0  }
0xc: {  	[sflag:s7] =	ssyncadd.s32 $0xFFFF8000  }
0xd: {  	[tilespmem:s8], [sflag:$0x1] =	stream.linear.gather [hbm4b:s4+s2], $0x8000, $0x38;
	[tilespmem:$0x18000] =	vst v63  }
0xe: {  	_ =	swait.ge [sflag:s7], $0x8000  }
0xf: {  	[sflag:s7] =	ssyncset.done $0x0  }
0x10: {  	s11 =	simm.s32 $0x0;
	[sflag:s7] =	ssyncadd.s32 $0xFFFF8000  }
.LBB2_2:
0x11: {  	v3 =	vmov s11  }
0x12: {  	v3 =	vshll.u32 v3, $0x7  }
0x13: {  	v10 =	vor.u32 v0, v3  }
0x14: {  	v9 =	vor.u32 $0x1, v10  }
0x15: {  	v8 =	vor.u32 $0x2, v10  }
0x16: {  	v7 =	vor.u32 $0x3, v10  }
0x17: {  	v3 =	vor.u32 $0x4, v10  }
0x18: {  	v4 =	vor.u32 $0x5, v10;
	v11 =	vld.idx.msk [tilespmem:v10+s8+$0x0], $0xffff  }
0x19: {  	v5 =	vor.u32 $0x6, v10;
	v12 =	vld.idx.msk [tilespmem:v9+s8+$0x0], $0xffff  }
0x1a: {  	v6 =	vor.u32 $0x7, v10;
	v13 =	vld.idx.msk [tilespmem:v8+s8+$0x0], $0xffff  }
0x1b: {  	v14 =	vld.idx.msk [tilespmem:v7+s8+$0x0], $0xffff  }
0x1c: {  	v15 =	vld.idx.msk [tilespmem:v3+s8+$0x0], $0xffff  }
0x1d: {  	v16 =	vld.idx.msk [tilespmem:v4+s8+$0x0], $0xffff  }
0x1e: {  	v17 =	vld.idx.msk [tilespmem:v5+s8+$0x0], $0xffff  }
0x1f: {  	v18 =	vld.idx.msk [tilespmem:v6+s8+$0x0], $0xffff;
	_ =	sdelay $0x3  }
0x20: {  	v19 =	vmax.f32 v11, v12  }
0x21: {  	v20 =	vmax.f32 v13, v14;
	v21 =	vmax.f32 v15, v16;
	v22 =	vmax.f32 v17, v18  }
0x22: {  	v19 =	vmax.f32 v19, v20;
	v52 =	vmax.f32 v21, v22  }
0x23: {  	v19 =	vmax.f32 v19, v52  }
0x24: {  	vm0 =	veq.f32 v18, v19  }
0x25: {  	vm1 =	veq.f32 v17, v19;
	v53 =	vsel vm0, $0x7, v1  }
0x26: {  	vm11 =	veq.f32 v16, v19;
	v20 =	vsel vm1, $0x6, v53  }
0x27: {  	vm12 =	veq.f32 v15, v19;
	v20 =	vsel vm11, $0x5, v20  }
0x28: {  	vm13 =	veq.f32 v14, v19;
	vm14 =	veq.f32 v13, v19;
	v20 =	vsel vm12, $0x4, v20  }
0x29: {  	vm15 =	veq.f32 v12, v19;
	vm4 =	vne.f32 v11, v19;
	v20 =	vsel vm13, $0x3, v20  }
0x2a: {  	vm0 =	vmand vm4, vm15;
	v20 =	vsel vm14, $0x2, v20  }
0x2b: {  	v11 =	vnsel vm4, $0xFF800000, v11;
	v12 =	vsel vm0, $0xFF800000, v12;
	v54 =	vsel vm15, $0x1, v20  }
0x2c: {  	v55 =	vmax.f32 v11, v12;
	v19 =	vnsel vm4, $0x0, v54  }
0x2d: {  	vm5 =	veq.s32 v19, $0x2;
	vm6 =	veq.s32 v19, $0x3;
	vm7 =	veq.s32 v19, $0x4  }
0x2e: {  	vm8 =	veq.s32 v19, $0x5;
	vm9 =	veq.s32 v19, $0x6;
	vm10 =	veq.s32 v19, $0x7  }
0x2f: {  	v13 =	vsel vm5, $0xFF800000, v13;
	v14 =	vsel vm6, $0xFF800000, v14;
	v15 =	vsel vm7, $0xFF800000, v15  }
0x30: {  	v16 =	vsel vm8, $0xFF800000, v16;
	v17 =	vsel vm9, $0xFF800000, v17;
	v18 =	vsel vm10, $0xFF800000, v18  }
0x31: {  	v56 =	vmax.f32 v13, v14;
	v57 =	vmax.f32 v15, v16;
	v23 =	vmax.f32 v17, v18  }
0x32: {  	v20 =	vmax.f32 v55, v56;
	v58 =	vmax.f32 v57, v23  }
0x33: {  	v20 =	vmax.f32 v20, v58  }
0x34: {  	vm11 =	veq.f32 v18, v20  }
0x35: {  	v33 =	vshll.u32 v19, $0x3;
	vm12 =	veq.f32 v17, v20;
	v59 =	vsel vm11, $0x7, v1  }
0x36: {  	v35 =	vadd.s32 v10, v33;
	vm13 =	veq.f32 v16, v20;
	v21 =	vsel vm12, $0x6, v59  }
0x37: {  	v37 =	vadd.s32 v33, v9;
	vm14 =	veq.f32 v15, v20;
	v21 =	vsel vm13, $0x5, v21  }
0x38: {  	vm15 =	veq.f32 v14, v20;
	vm4 =	veq.f32 v13, v20;
	v21 =	vsel vm14, $0x4, v21  }
0x39: {  	vm5 =	veq.f32 v12, v20;
	vm6 =	vne.f32 v11, v20;
	v21 =	vsel vm15, $0x3, v21  }
0x3a: {  	v39 =	vadd.s32 v33, v8;
	vm0 =	vmand vm6, vm5;
	v21 =	vsel vm4, $0x2, v21  }
0x3b: {  	v11 =	vnsel vm6, $0xFF800000, v11;
	v12 =	vsel vm0, $0xFF800000, v12;
	v60 =	vsel vm5, $0x1, v21  }
0x3c: {  	v44 =	vadd.s32 v33, v5;
	v61 =	vmax.f32 v11, v12;
	v20 =	vnsel vm6, $0x0, v60  }
0x3d: {  	vm7 =	veq.s32 v20, $0x2;
	vm8 =	veq.s32 v20, $0x3;
	vm9 =	veq.s32 v20, $0x4  }
0x3e: {  	vm10 =	veq.s32 v20, $0x5;
	vm11 =	veq.s32 v20, $0x6;
	vm12 =	veq.s32 v20, $0x7  }
0x3f: {  	v13 =	vsel vm7, $0xFF800000, v13;
	v14 =	vsel vm8, $0xFF800000, v14;
	v15 =	vsel vm9, $0xFF800000, v15  }
0x40: {  	v16 =	vsel vm10, $0xFF800000, v16;
	v17 =	vsel vm11, $0xFF800000, v17;
	v18 =	vsel vm12, $0xFF800000, v18  }
0x41: {  	v62 =	vmax.f32 v13, v14;
	v63 =	vmax.f32 v15, v16;
	v24 =	vmax.f32 v17, v18  }
0x42: {  	v40 =	vadd.s32 v33, v7;
	v21 =	vmax.f32 v61, v62;
	v28 =	vmax.f32 v63, v24  }
0x43: {  	v41 =	vadd.s32 v33, v3;
	v43 =	vshll.u32 v20, $0x3;
	v20 =	vld.idx.msk [tilespmem:v44+s2+$0x0], $0xffff;
	v21 =	vmax.f32 v21, v28  }
0x44: {  	v42 =	vadd.s32 v33, v4;
	vm5 =	veq.f32 v14, v21;
	v14 =	vld.idx.msk [tilespmem:v35+s2+$0x0], $0xffff  }
0x45: {  	v45 =	vadd.s32 v10, v43;
	vm6 =	veq.f32 v13, v21;
	v13 =	vld.idx.msk [tilespmem:v37+s2+$0x0], $0xffff  }
0x46: {  	v46 =	vadd.s32 v43, v9;
	v47 =	vadd.s32 v43, v8;
	vm7 =	veq.f32 v12, v21;
	v12 =	vld.idx.msk [tilespmem:v39+s2+$0x0], $0xffff  }
0x47: {  	v48 =	vadd.s32 v43, v7;
	vm13 =	veq.f32 v18, v21;
	vm15 =	veq.f32 v16, v21;
	v16 =	vld.idx.msk [tilespmem:v40+s2+$0x0], $0xffff  }
0x48: {  	v25 =	vadd.s32 v43, v3;
	vm14 =	veq.f32 v17, v21;
	v17 =	vld.idx.msk [tilespmem:v41+s2+$0x0], $0xffff;
	v29 =	vsel vm13, $0x38, v2  }
0x49: {  	v26 =	vadd.s32 v43, v4;
	v27 =	vadd.s32 v43, v5;
	v18 =	vld.idx.msk [tilespmem:v42+s2+$0x0], $0xffff;
	v30 =	vsel vm14, $0x30, v29  }
0x4a: {  	vm4 =	veq.f32 v15, v21;
	vm8 =	veq.f32 v11, v21;
	v21 =	vld.idx.msk [tilespmem:v45+s2+$0x0], $0xffff;
	v31 =	vsel vm15, $0x28, v30  }
0x4b: {  	v28 =	vadd.s32 v43, v6;
	v15 =	vadd.s32 v33, v6;
	v22 =	vld.idx.msk [tilespmem:v46+s2+$0x0], $0xffff;
	v32 =	vsel vm4, $0x20, v31  }
0x4c: {  	v57 =	vshra.s32 v20, $0x1F;
	v58 =	vand.u32 $0xFFFFFFE0, v20;
	v23 =	vld.idx.msk [tilespmem:v47+s2+$0x0], $0xffff;
	v34 =	vsel vm5, $0x18, v32  }
0x4d: {  	v24 =	vld.idx.msk [tilespmem:v48+s2+$0x0], $0xffff;
	v49 =	vshra.s32 v14, $0x1F;
	v14 =	vand.u32 $0xFFFFFFE0, v14;
	v37 =	vshra.s32 v12, $0x1F  }
0x4e: {  	v25 =	vld.idx.msk [tilespmem:v25+s2+$0x0], $0xffff;
	v51 =	vshra.s32 v16, $0x1F;
	v16 =	vand.u32 $0xFFFFFFE0, v16;
	v54 =	vshra.s32 v17, $0x1F  }
0x4f: {  	v26 =	vld.idx.msk [tilespmem:v26+s2+$0x0], $0xffff;
	v56 =	vshra.s32 v18, $0x1F;
	v17 =	vand.u32 $0xFFFFFFE0, v17;
	v18 =	vand.u32 $0xFFFFFFE0, v18  }
0x50: {  	v27 =	vld.idx.msk [tilespmem:v27+s2+$0x0], $0xffff;
	v36 =	vsel vm6, $0x10, v34;
	v19 =	vand.u32 $0x7FFFFFE0, v49;
	v37 =	vand.u32 $0x7FFFFFE0, v37  }
0x51: {  	v53 =	vand.u32 $0x7FFFFFE0, v51;
	v55 =	vand.u32 $0x7FFFFFE0, v54;
	v61 =	vshra.s32 v21, $0x1F  }
0x52: {  	v21 =	vand.u32 $0xFFFFFFE0, v21;
	v62 =	vshra.s32 v22, $0x1F;
	v22 =	vand.u32 $0xFFFFFFE0, v22  }
0x53: {  	v63 =	vshra.s32 v23, $0x1F;
	v41 =	vshra.s32 v24, $0x1F;
	v23 =	vand.u32 $0xFFFFFFE0, v23  }
0x54: {  	v24 =	vand.u32 $0xFFFFFFE0, v24;
	v42 =	vshra.s32 v25, $0x1F;
	v25 =	vand.u32 $0xFFFFFFE0, v25  }
0x55: {  	v43 =	vshra.s32 v26, $0x1F;
	v45 =	vshra.s32 v27, $0x1F;
	v26 =	vand.u32 $0xFFFFFFE0, v26  }
0x56: {  	v27 =	vand.u32 $0xFFFFFFE0, v27;
	v38 =	vsel vm7, $0x8, v36;
	v36 =	vshra.s32 v13, $0x1F  }
0x57: {  	v52 =	vld.idx.msk [tilespmem:v15+s2+$0x0], $0xffff;
	v13 =	vand.u32 $0xFFFFFFE0, v13;
	v15 =	vxor.u32 v16, v53;
	v16 =	vxor.u32 v17, v55  }
0x58: {  	v28 =	vld.idx.msk [tilespmem:v28+s2+$0x0], $0xffff;
	v20 =	vand.u32 $0x7FFFFFE0, v61;
	v40 =	vand.u32 $0x7FFFFFE0, v63;
	v44 =	vand.u32 $0x7FFFFFE0, v43  }
0x59: {  	v11 =	vsel vm8, $0x0, v38;
	v36 =	vand.u32 $0x7FFFFFE0, v36;
	v38 =	vand.u32 $0xFFFFFFE0, v12  }
0x5a: {  	v12 =	vxor.u32 v14, v19;
	v19 =	vand.u32 $0x7FFFFFE0, v56;
	v15 =	vor.u32 $0x3, v15  }
0x5b: {  	v17 =	vor.u32 $0x4, v16;
	v21 =	vxor.u32 v21, v20;
	v11 =	vadd.s32 v10, v11  }
0x5c: {  	v13 =	vxor.u32 v13, v36;
	v50 =	vxor.u32 v38, v37;
	v18 =	vxor.u32 v18, v19  }
0x5d: {  	v48 =	vshra.s32 v28, $0x1F;
	v28 =	vand.u32 $0xFFFFFFE0, v28;
	v29 =	vadd.s32 $0x1, v11  }
0x5e: {  	v30 =	vadd.s32 $0x2, v11;
	v31 =	vadd.s32 $0x3, v11;
	v32 =	vadd.s32 $0x4, v11  }
0x5f: {  	v33 =	vadd.s32 $0x5, v11;
	v34 =	vadd.s32 $0x6, v11;
	v35 =	vadd.s32 $0x7, v11  }
0x60: {  	v14 =	vor.u32 $0x1, v13;
	v13 =	vor.u32 $0x2, v50;
	v16 =	vor.u32 $0x5, v18  }
0x61: {  	v18 =	vand.u32 $0x7FFFFFE0, v57;
	v59 =	vshra.s32 v52, $0x1F;
	v36 =	vand.u32 $0xFFFFFFE0, v52  }
0x62: {  	v18 =	vxor.u32 v58, v18;
	v60 =	vand.u32 $0x7FFFFFE0, v59;
	vm9 =	vgt.s32 v12, v14  }
0x63: {  	vm10 =	vgt.s32 v13, v15;
	vm11 =	vgt.s32 v17, v16;
	v19 =	vxor.u32 v36, v60  }
0x64: {  	v18 =	vor.u32 $0x6, v18;
	v36 =	vand.u32 $0x7FFFFFE0, v41;
	v20 =	vor.u32 $0x7, v19  }
0x65: {  	v19 =	vor.u32 $0x8, v21;
	v21 =	vand.u32 $0x7FFFFFE0, v62;
	v24 =	vxor.u32 v24, v36  }
0x66: {  	v36 =	vand.u32 $0x7FFFFFE0, v45;
	v21 =	vxor.u32 v22, v21;
	v22 =	vxor.u32 v23, v40  }
0x67: {  	v11 =	vld.idx.msk [tilespmem:v11+s2+$0x0], $0xffff;
	v46 =	vxor.u32 v27, v36;
	vm12 =	vgt.s32 v18, v20;
	v21 =	vor.u32 $0x9, v21  }
0x68: {  	v23 =	vor.u32 $0xA, v22;
	v22 =	vor.u32 $0xB, v24;
	v24 =	vand.u32 $0x7FFFFFE0, v42;
	v29 =	vld.idx.msk [tilespmem:v29+s2+$0x0], $0xffff  }
0x69: {  	v47 =	vld.idx.msk [tilespmem:v30+s2+$0x0], $0xffff;
	v30 =	vand.u32 $0x7FFFFFE0, v48;
	v24 =	vxor.u32 v25, v24;
	v25 =	vxor.u32 v26, v44  }
0x6a: {  	v31 =	vld.idx.msk [tilespmem:v31+s2+$0x0], $0xffff;
	v26 =	vor.u32 $0xE, v46;
	v28 =	vxor.u32 v28, v30;
	vm2 =	vgt.s32 v19, v21  }
0x6b: {  	v32 =	vld.idx.msk [tilespmem:v32+s2+$0x0], $0xffff;
	vm13 =	vgt.s32 v23, v22;
	v24 =	vor.u32 $0xC, v24;
	v25 =	vor.u32 $0xD, v25  }
0x6c: {  	v52 =	vld.idx.msk [tilespmem:v33+s2+$0x0], $0xffff;
	v28 =	vor.u32 $0xF, v28;
	v39 =	vsel vm2, v19, v21;
	v40 =	vsel vm13, v23, v22  }
0x6d: {  	v34 =	vld.idx.msk [tilespmem:v34+s2+$0x0], $0xffff;
	vm14 =	vgt.s32 v24, v25;
	vm15 =	vgt.s32 v26, v28;
	v49 =	vshra.s32 v11, $0x1F  }
0x6e: {  	v35 =	vld.idx.msk [tilespmem:v35+s2+$0x0], $0xffff;
	v11 =	vand.u32 $0xFFFFFFE0, v11;
	v41 =	vsel vm14, v24, v25;
	v42 =	vsel vm15, v26, v28  }
0x6f: {  	v50 =	vand.u32 $0x7FFFFFE0, v49;
	v51 =	vshra.s32 v29, $0x1F;
	v29 =	vand.u32 $0xFFFFFFE0, v29  }
0x70: {  	v53 =	vshra.s32 v47, $0x1F;
	v27 =	vand.u32 $0xFFFFFFE0, v47;
	v54 =	vshra.s32 v31, $0x1F  }
0x71: {  	v56 =	vshra.s32 v32, $0x1F;
	v31 =	vand.u32 $0xFFFFFFE0, v31;
	v32 =	vand.u32 $0xFFFFFFE0, v32  }
0x72: {  	v59 =	vshra.s32 v52, $0x1F;
	v30 =	vand.u32 $0xFFFFFFE0, v52;
	v60 =	vshra.s32 v34, $0x1F  }
0x73: {  	v62 =	vand.u32 $0xFFFFFFE0, v34;
	v47 =	vshra.s32 v35, $0x1F;
	v49 =	vand.u32 $0xFFFFFFE0, v35  }
0x74: {  	v52 =	vsel vm11, v17, v16;
	vm11 =	vgt.s32 v41, v42;
	v36 =	vand.u32 $0x7FFFFFE0, v51  }
0x75: {  	v11 =	vxor.u32 v11, v50;
	v55 =	vand.u32 $0x7FFFFFE0, v54;
	v61 =	vand.u32 $0x7FFFFFE0, v60  }
0x76: {  	v48 =	vand.u32 $0x7FFFFFE0, v47;
	v50 =	vsel vm9, v12, v14;
	v51 =	vsel vm10, v13, v15  }
0x77: {  	vm10 =	vgt.s32 v39, v40;
	v29 =	vxor.u32 v29, v36;
	v33 =	vor.u32 $0x10, v11  }
0x78: {  	v11 =	vand.u32 $0x7FFFFFE0, v53;
	v36 =	vand.u32 $0x7FFFFFE0, v56;
	v57 =	vxor.u32 v31, v55  }
0x79: {  	v46 =	vxor.u32 v62, v61;
	v53 =	vsel vm12, v18, v20;
	vm8 =	vgt.s32 v50, v51  }
0x7a: {  	v55 =	vsel vm10, v39, v40;
	v56 =	vsel vm11, v41, v42;
	v29 =	vor.u32 $0x11, v29  }
0x7b: {  	v11 =	vxor.u32 v27, v11;
	v58 =	vxor.u32 v32, v36;
	v31 =	vor.u32 $0x13, v57  }
0x7c: {  	v32 =	vor.u32 $0x16, v46;
	vm9 =	vgt.s32 v52, v53;
	vm15 =	vgt.s32 v55, v56  }
0x7d: {  	v37 =	vor.u32 $0x12, v11;
	v27 =	vor.u32 $0x14, v58;
	v11 =	vand.u32 $0x7FFFFFE0, v59  }
0x7e: {  	vm4 =	vgt.s32 v33, v29;
	v54 =	vsel vm9, v52, v53;
	v11 =	vxor.u32 v30, v11  }
0x7f: {  	v59 =	vsel vm15, v55, v56;
	v63 =	vor.u32 $0x15, v11;
	v11 =	vxor.u32 v49, v48  }
0x80: {  	vm5 =	vgt.s32 v37, v31;
	v43 =	vsel vm4, v33, v29;
	v30 =	vor.u32 $0x17, v11  }
0x81: {  	v44 =	vsel vm5, v37, v31;
	vm6 =	vgt.s32 v27, v63;
	vm7 =	vgt.s32 v32, v30  }
0x82: {  	v11 =	vsel vm8, v50, v51;
	v45 =	vsel vm6, v27, v63;
	v46 =	vsel vm7, v32, v30  }
0x83: {  	vm12 =	vgt.s32 v43, v44;
	vm14 =	vgt.s32 v11, v54;
	vm13 =	vgt.s32 v45, v46  }
0x84: {  	v57 =	vsel vm12, v43, v44;
	v11 =	vsel vm14, v11, v54;
	v58 =	vsel vm13, v45, v46  }
0x85: {  	vm1 =	vgt.s32 v11, v59;
	vm0 =	vgt.s32 v57, v58  }
0x86: {  	v11 =	vsel vm1, v11, v59;
	v60 =	vsel vm0, v57, v58  }
0x87: {  	vm0 =	vgt.s32 v11, v60  }
0x88: {  	v11 =	vsel vm0, v11, v60  }
0x89: {  	vm0 =	veq.s32 v12, v11  }
0x8a: {  	vm4 =	veq.s32 v14, v11;
	vm5 =	veq.s32 v13, v11;
	vm6 =	veq.s32 v15, v11  }
0x8b: {  	vm7 =	veq.s32 v17, v11;
	vm8 =	veq.s32 v16, v11;
	vm9 =	veq.s32 v18, v11  }
0x8c: {  	vm10 =	veq.s32 v20, v11;
	vm11 =	veq.s32 v19, v11;
	vm12 =	veq.s32 v21, v11  }
0x8d: {  	vm13 =	veq.s32 v23, v11;
	vm14 =	veq.s32 v22, v11;
	vm15 =	veq.s32 v24, v11  }
0x8e: {  	v35 =	vsel vm0, $0x80000000, v12;
	v14 =	vsel vm4, $0x80000000, v14;
	v13 =	vsel vm5, $0x80000000, v13  }
0x8f: {  	v15 =	vsel vm6, $0x80000000, v15;
	v17 =	vsel vm7, $0x80000000, v17;
	v16 =	vsel vm8, $0x80000000, v16  }
0x90: {  	v18 =	vsel vm9, $0x80000000, v18;
	v20 =	vsel vm10, $0x80000000, v20;
	v19 =	vsel vm11, $0x80000000, v19  }
0x91: {  	v21 =	vsel vm12, $0x80000000, v21;
	v23 =	vsel vm13, $0x80000000, v23;
	vm4 =	veq.s32 v25, v11  }
0x92: {  	v22 =	vsel vm14, $0x80000000, v22;
	v24 =	vsel vm15, $0x80000000, v24;
	vm5 =	veq.s32 v26, v11  }
0x93: {  	vm6 =	veq.s32 v28, v11;
	vm7 =	veq.s32 v33, v11;
	vm8 =	veq.s32 v29, v11  }
0x94: {  	vm9 =	veq.s32 v37, v11;
	vm10 =	veq.s32 v31, v11;
	vm11 =	veq.s32 v27, v11  }
0x95: {  	vm12 =	veq.s32 v63, v11;
	vm13 =	veq.s32 v32, v11;
	vm14 =	veq.s32 v30, v11  }
0x96: {  	v25 =	vsel vm4, $0x80000000, v25;
	v26 =	vsel vm5, $0x80000000, v26;
	v28 =	vsel vm6, $0x80000000, v28  }
0x97: {  	v33 =	vsel vm7, $0x80000000, v33;
	v29 =	vsel vm8, $0x80000000, v29;
	v36 =	vsel vm9, $0x80000000, v37  }
0x98: {  	v31 =	vsel vm10, $0x80000000, v31;
	v27 =	vsel vm11, $0x80000000, v27;
	v34 =	vsel vm12, $0x80000000, v63  }
0x99: {  	v32 =	vsel vm13, $0x80000000, v32;
	vm15 =	vgt.s32 v35, v14;
	vm4 =	vgt.s32 v13, v15  }
0x9a: {  	v30 =	vsel vm14, $0x80000000, v30;
	vm5 =	vgt.s32 v17, v16;
	vm6 =	vgt.s32 v18, v20  }
0x9b: {  	vm7 =	vgt.s32 v19, v21;
	vm8 =	vgt.s32 v23, v22;
	v12 =	vsel vm15, v35, v14  }
0x9c: {  	v61 =	vsel vm4, v13, v15;
	v62 =	vsel vm5, v17, v16;
	v63 =	vsel vm6, v18, v20  }
0x9d: {  	v48 =	vsel vm7, v19, v21;
	vm9 =	vgt.s32 v24, v25;
	vm10 =	vgt.s32 v26, v28  }
0x9e: {  	v49 =	vsel vm8, v23, v22;
	vm11 =	vgt.s32 v33, v29;
	vm12 =	vgt.s32 v36, v31  }
0x9f: {  	vm13 =	vgt.s32 v27, v34;
	vm14 =	vgt.s32 v32, v30;
	v50 =	vsel vm9, v24, v25  }
0xa0: {  	v51 =	vsel vm10, v26, v28;
	v52 =	vsel vm11, v33, v29;
	v53 =	vsel vm12, v36, v31  }
0xa1: {  	v54 =	vsel vm13, v27, v34;
	vm15 =	vgt.s32 v12, v61;
	vm4 =	vgt.s32 v62, v63  }
0xa2: {  	v47 =	vsel vm14, v32, v30;
	vm5 =	vgt.s32 v48, v49;
	v12 =	vsel vm15, v12, v61  }
0xa3: {  	v55 =	vsel vm4, v62, v63;
	vm6 =	vgt.s32 v50, v51;
	vm7 =	vgt.s32 v52, v53  }
0xa4: {  	v56 =	vsel vm5, v48, v49;
	vm8 =	vgt.s32 v54, v47;
	v57 =	vsel vm6, v50, v51  }
0xa5: {  	v58 =	vsel vm7, v52, v53;
	vm9 =	vgt.s32 v12, v55;
	vm10 =	vgt.s32 v56, v57  }
0xa6: {  	v59 =	vsel vm8, v54, v47;
	v12 =	vsel vm9, v12, v55;
	v60 =	vsel vm10, v56, v57  }
0xa7: {  	vm0 =	vgt.s32 v58, v59;
	vm1 =	vgt.s32 v12, v60  }
0xa8: {  	v61 =	vsel vm0, v58, v59;
	v12 =	vsel vm1, v12, v60  }
0xa9: {  	vm0 =	vgt.s32 v12, v61  }
0xaa: {  	v12 =	vsel vm0, v12, v61  }
0xab: {  	vm0 =	veq.s32 v35, v12  }
0xac: {  	vm11 =	veq.s32 v14, v12;
	vm12 =	veq.s32 v13, v12;
	vm13 =	veq.s32 v15, v12  }
0xad: {  	vm14 =	veq.s32 v17, v12;
	vm15 =	veq.s32 v16, v12;
	vm4 =	veq.s32 v18, v12  }
0xae: {  	vm5 =	veq.s32 v20, v12;
	vm6 =	veq.s32 v19, v12;
	vm7 =	veq.s32 v21, v12  }
0xaf: {  	vm8 =	veq.s32 v23, v12;
	vm9 =	veq.s32 v22, v12;
	vm10 =	veq.s32 v24, v12  }
0xb0: {  	v35 =	vsel vm0, $0x80000000, v35;
	v14 =	vsel vm11, $0x80000000, v14;
	v37 =	vsel vm12, $0x80000000, v13  }
0xb1: {  	v15 =	vsel vm13, $0x80000000, v15;
	v17 =	vsel vm14, $0x80000000, v17;
	v16 =	vsel vm15, $0x80000000, v16  }
0xb2: {  	v18 =	vsel vm4, $0x80000000, v18;
	v20 =	vsel vm5, $0x80000000, v20;
	v19 =	vsel vm6, $0x80000000, v19  }
0xb3: {  	v21 =	vsel vm7, $0x80000000, v21;
	v23 =	vsel vm8, $0x80000000, v23;
	vm11 =	veq.s32 v25, v12  }
0xb4: {  	v22 =	vsel vm9, $0x80000000, v22;
	v24 =	vsel vm10, $0x80000000, v24;
	vm12 =	veq.s32 v26, v12  }
0xb5: {  	vm13 =	veq.s32 v28, v12;
	vm14 =	veq.s32 v33, v12;
	vm15 =	veq.s32 v29, v12  }
0xb6: {  	vm4 =	veq.s32 v36, v12;
	vm5 =	veq.s32 v31, v12;
	vm6 =	veq.s32 v27, v12  }
0xb7: {  	vm7 =	veq.s32 v34, v12;
	vm8 =	veq.s32 v32, v12;
	vm9 =	veq.s32 v30, v12  }
0xb8: {  	v25 =	vsel vm11, $0x80000000, v25;
	v26 =	vsel vm12, $0x80000000, v26;
	v28 =	vsel vm13, $0x80000000, v28  }
0xb9: {  	v33 =	vsel vm14, $0x80000000, v33;
	v29 =	vsel vm15, $0x80000000, v29;
	v36 =	vsel vm4, $0x80000000, v36  }
0xba: {  	v31 =	vsel vm5, $0x80000000, v31;
	v27 =	vsel vm6, $0x80000000, v27;
	v34 =	vsel vm7, $0x80000000, v34  }
0xbb: {  	v32 =	vsel vm8, $0x80000000, v32;
	vm10 =	vgt.s32 v35, v14;
	vm11 =	vgt.s32 v37, v15  }
0xbc: {  	v30 =	vsel vm9, $0x80000000, v30;
	vm12 =	vgt.s32 v17, v16;
	vm13 =	vgt.s32 v18, v20  }
0xbd: {  	vm14 =	vgt.s32 v19, v21;
	vm15 =	vgt.s32 v23, v22;
	v62 =	vsel vm10, v35, v14  }
0xbe: {  	v63 =	vsel vm11, v37, v15;
	v52 =	vsel vm12, v17, v16;
	v53 =	vsel vm13, v18, v20  }
0xbf: {  	v54 =	vsel vm14, v19, v21;
	vm4 =	vgt.s32 v24, v25;
	vm5 =	vgt.s32 v26, v28  }
0xc0: {  	v55 =	vsel vm15, v23, v22;
	vm6 =	vgt.s32 v33, v29;
	vm7 =	vgt.s32 v36, v31  }
0xc1: {  	vm8 =	vgt.s32 v27, v34;
	vm9 =	vgt.s32 v32, v30;
	v56 =	vsel vm4, v24, v25  }
0xc2: {  	v57 =	vsel vm5, v26, v28;
	v58 =	vsel vm6, v33, v29;
	v59 =	vsel vm7, v36, v31  }
0xc3: {  	v60 =	vsel vm8, v27, v34;
	vm10 =	vgt.s32 v62, v63;
	vm11 =	vgt.s32 v52, v53  }
0xc4: {  	v48 =	vsel vm9, v32, v30;
	vm12 =	vgt.s32 v54, v55;
	v13 =	vsel vm10, v62, v63  }
0xc5: {  	v61 =	vsel vm11, v52, v53;
	vm13 =	vgt.s32 v56, v57;
	vm14 =	vgt.s32 v58, v59  }
0xc6: {  	v62 =	vsel vm12, v54, v55;
	vm15 =	vgt.s32 v60, v48;
	v63 =	vsel vm13, v56, v57  }
0xc7: {  	v46 =	vsel vm14, v58, v59;
	vm4 =	vgt.s32 v13, v61;
	vm5 =	vgt.s32 v62, v63  }
0xc8: {  	v49 =	vsel vm15, v60, v48;
	v13 =	vsel vm4, v13, v61;
	v50 =	vsel vm5, v62, v63  }
0xc9: {  	vm0 =	vgt.s32 v46, v49;
	vm1 =	vgt.s32 v13, v50  }
0xca: {  	v51 =	vsel vm0, v46, v49;
	v13 =	vsel vm1, v13, v50  }
0xcb: {  	vm0 =	vgt.s32 v13, v51  }
0xcc: {  	v13 =	vsel vm0, v13, v51  }
0xcd: {  	vm0 =	veq.s32 v35, v13  }
0xce: {  	vm6 =	veq.s32 v14, v13;
	vm7 =	veq.s32 v37, v13;
	vm8 =	veq.s32 v15, v13  }
0xcf: {  	vm9 =	veq.s32 v17, v13;
	vm10 =	veq.s32 v16, v13;
	vm11 =	veq.s32 v18, v13  }
0xd0: {  	vm12 =	veq.s32 v20, v13;
	vm13 =	veq.s32 v19, v13;
	vm14 =	veq.s32 v21, v13  }
0xd1: {  	vm15 =	veq.s32 v23, v13;
	vm4 =	veq.s32 v22, v13;
	vm5 =	veq.s32 v24, v13  }
0xd2: {  	v35 =	vsel vm0, $0x80000000, v35;
	v38 =	vsel vm6, $0x80000000, v14;
	v37 =	vsel vm7, $0x80000000, v37  }
0xd3: {  	v15 =	vsel vm8, $0x80000000, v15;
	v17 =	vsel vm9, $0x80000000, v17;
	v16 =	vsel vm10, $0x80000000, v16  }
0xd4: {  	v18 =	vsel vm11, $0x80000000, v18;
	v20 =	vsel vm12, $0x80000000, v20;
	v19 =	vsel vm13, $0x80000000, v19  }
0xd5: {  	v21 =	vsel vm14, $0x80000000, v21;
	v23 =	vsel vm15, $0x80000000, v23;
	vm6 =	veq.s32 v25, v13  }
0xd6: {  	v22 =	vsel vm4, $0x80000000, v22;
	v24 =	vsel vm5, $0x80000000, v24;
	vm7 =	veq.s32 v26, v13  }
0xd7: {  	vm8 =	veq.s32 v28, v13;
	vm9 =	veq.s32 v33, v13;
	vm10 =	veq.s32 v29, v13  }
0xd8: {  	vm11 =	veq.s32 v36, v13;
	vm12 =	veq.s32 v31, v13;
	vm13 =	veq.s32 v27, v13  }
0xd9: {  	vm14 =	veq.s32 v34, v13;
	vm15 =	veq.s32 v32, v13;
	vm4 =	veq.s32 v30, v13  }
0xda: {  	v25 =	vsel vm6, $0x80000000, v25;
	v26 =	vsel vm7, $0x80000000, v26;
	v28 =	vsel vm8, $0x80000000, v28  }
0xdb: {  	v33 =	vsel vm9, $0x80000000, v33;
	v29 =	vsel vm10, $0x80000000, v29;
	v36 =	vsel vm11, $0x80000000, v36  }
0xdc: {  	v31 =	vsel vm12, $0x80000000, v31;
	v27 =	vsel vm13, $0x80000000, v27;
	v34 =	vsel vm14, $0x80000000, v34  }
0xdd: {  	v32 =	vsel vm15, $0x80000000, v32;
	vm5 =	vgt.s32 v35, v38;
	vm6 =	vgt.s32 v37, v15  }
0xde: {  	v30 =	vsel vm4, $0x80000000, v30;
	vm7 =	vgt.s32 v17, v16;
	vm8 =	vgt.s32 v18, v20  }
0xdf: {  	vm9 =	vgt.s32 v19, v21;
	vm10 =	vgt.s32 v23, v22;
	v14 =	vsel vm5, v35, v38  }
0xe0: {  	v52 =	vsel vm6, v37, v15;
	v53 =	vsel vm7, v17, v16;
	v54 =	vsel vm8, v18, v20  }
0xe1: {  	v55 =	vsel vm9, v19, v21;
	vm11 =	vgt.s32 v24, v25;
	vm12 =	vgt.s32 v26, v28  }
0xe2: {  	v56 =	vsel vm10, v23, v22;
	vm13 =	vgt.s32 v33, v29;
	vm14 =	vgt.s32 v36, v31  }
0xe3: {  	vm15 =	vgt.s32 v27, v34;
	vm4 =	vgt.s32 v32, v30;
	v57 =	vsel vm11, v24, v25  }
0xe4: {  	v58 =	vsel vm12, v26, v28;
	v59 =	vsel vm13, v33, v29;
	v60 =	vsel vm14, v36, v31  }
0xe5: {  	v61 =	vsel vm15, v27, v34;
	vm5 =	vgt.s32 v14, v52;
	vm6 =	vgt.s32 v53, v54  }
0xe6: {  	v49 =	vsel vm4, v32, v30;
	vm7 =	vgt.s32 v55, v56;
	v14 =	vsel vm5, v14, v52  }
0xe7: {  	v62 =	vsel vm6, v53, v54;
	vm8 =	vgt.s32 v57, v58;
	vm9 =	vgt.s32 v59, v60  }
0xe8: {  	v63 =	vsel vm7, v55, v56;
	vm10 =	vgt.s32 v61, v49;
	v50 =	vsel vm8, v57, v58  }
0xe9: {  	v51 =	vsel vm9, v59, v60;
	vm11 =	vgt.s32 v14, v62;
	vm12 =	vgt.s32 v63, v50  }
0xea: {  	v52 =	vsel vm10, v61, v49;
	v14 =	vsel vm11, v14, v62;
	v53 =	vsel vm12, v63, v50  }
0xeb: {  	vm0 =	vgt.s32 v51, v52;
	vm1 =	vgt.s32 v14, v53  }
0xec: {  	v54 =	vsel vm0, v51, v52;
	v14 =	vsel vm1, v14, v53  }
0xed: {  	vm0 =	vgt.s32 v14, v54  }
0xee: {  	v14 =	vsel vm0, v14, v54  }
0xef: {  	v40 =	vand.u32 $0xFFFFFFE0, v12;
	vm0 =	veq.s32 v35, v14  }
0xf0: {  	vm13 =	veq.s32 v38, v14;
	vm14 =	veq.s32 v37, v14;
	vm15 =	veq.s32 v15, v14  }
0xf1: {  	vm4 =	veq.s32 v17, v14;
	vm5 =	veq.s32 v16, v14;
	vm6 =	veq.s32 v18, v14  }
0xf2: {  	vm7 =	veq.s32 v20, v14;
	vm8 =	veq.s32 v19, v14;
	vm9 =	veq.s32 v21, v14  }
0xf3: {  	vm10 =	veq.s32 v23, v14;
	vm11 =	veq.s32 v22, v14;
	vm12 =	veq.s32 v24, v14  }
0xf4: {  	v35 =	vsel vm0, $0x80000000, v35;
	v38 =	vsel vm13, $0x80000000, v38;
	v37 =	vsel vm14, $0x80000000, v37  }
0xf5: {  	v39 =	vsel vm15, $0x80000000, v15;
	v17 =	vsel vm4, $0x80000000, v17;
	v16 =	vsel vm5, $0x80000000, v16  }
0xf6: {  	v18 =	vsel vm6, $0x80000000, v18;
	v20 =	vsel vm7, $0x80000000, v20;
	v19 =	vsel vm8, $0x80000000, v19  }
0xf7: {  	v21 =	vsel vm9, $0x80000000, v21;
	v23 =	vsel vm10, $0x80000000, v23;
	vm13 =	veq.s32 v25, v14  }
0xf8: {  	v22 =	vsel vm11, $0x80000000, v22;
	v24 =	vsel vm12, $0x80000000, v24;
	vm14 =	veq.s32 v26, v14  }
0xf9: {  	vm15 =	veq.s32 v28, v14;
	vm4 =	veq.s32 v33, v14;
	vm5 =	veq.s32 v29, v14  }
0xfa: {  	vm6 =	veq.s32 v36, v14;
	vm7 =	veq.s32 v31, v14;
	vm8 =	veq.s32 v27, v14  }
0xfb: {  	vm9 =	veq.s32 v34, v14;
	vm10 =	veq.s32 v32, v14;
	vm11 =	veq.s32 v30, v14  }
0xfc: {  	v25 =	vsel vm13, $0x80000000, v25;
	v26 =	vsel vm14, $0x80000000, v26;
	v28 =	vsel vm15, $0x80000000, v28  }
0xfd: {  	v33 =	vsel vm4, $0x80000000, v33;
	v29 =	vsel vm5, $0x80000000, v29;
	v36 =	vsel vm6, $0x80000000, v36  }
0xfe: {  	v31 =	vsel vm7, $0x80000000, v31;
	v27 =	vsel vm8, $0x80000000, v27;
	v34 =	vsel vm9, $0x80000000, v34  }
0xff: {  	v32 =	vsel vm10, $0x80000000, v32;
	vm12 =	vgt.s32 v35, v38;
	vm13 =	vgt.s32 v37, v39  }
0x100: {  	v30 =	vsel vm11, $0x80000000, v30;
	vm14 =	vgt.s32 v17, v16;
	vm15 =	vgt.s32 v18, v20  }
0x101: {  	vm4 =	vgt.s32 v19, v21;
	vm5 =	vgt.s32 v23, v22;
	v55 =	vsel vm12, v35, v38  }
0x102: {  	v56 =	vsel vm13, v37, v39;
	v57 =	vsel vm14, v17, v16;
	v58 =	vsel vm15, v18, v20  }
0x103: {  	v59 =	vsel vm4, v19, v21;
	vm6 =	vgt.s32 v24, v25;
	vm7 =	vgt.s32 v26, v28  }
0x104: {  	v60 =	vsel vm5, v23, v22;
	vm8 =	vgt.s32 v33, v29;
	vm9 =	vgt.s32 v36, v31  }
0x105: {  	vm10 =	vgt.s32 v27, v34;
	vm11 =	vgt.s32 v32, v30;
	v61 =	vsel vm6, v24, v25  }
0x106: {  	v62 =	vsel vm7, v26, v28;
	v63 =	vsel vm8, v33, v29;
	v52 =	vsel vm9, v36, v31  }
0x107: {  	v53 =	vsel vm10, v27, v34;
	vm12 =	vgt.s32 v55, v56;
	vm13 =	vgt.s32 v57, v58  }
0x108: {  	v50 =	vsel vm11, v32, v30;
	vm14 =	vgt.s32 v59, v60;
	v15 =	vsel vm12, v55, v56  }
0x109: {  	v54 =	vsel vm13, v57, v58;
	vm15 =	vgt.s32 v61, v62;
	vm4 =	vgt.s32 v63, v52  }
0x10a: {  	v55 =	vsel vm14, v59, v60;
	vm5 =	vgt.s32 v53, v50;
	v56 =	vsel vm15, v61, v62  }
0x10b: {  	v57 =	vsel vm4, v63, v52;
	vm6 =	vgt.s32 v15, v54;
	vm7 =	vgt.s32 v55, v56  }
0x10c: {  	v58 =	vsel vm5, v53, v50;
	v15 =	vsel vm6, v15, v54;
	v59 =	vsel vm7, v55, v56  }
0x10d: {  	v12 =	vshra.s32 v12, $0x1F;
	vm0 =	vgt.s32 v57, v58;
	vm1 =	vgt.s32 v15, v59  }
0x10e: {  	v12 =	vand.u32 $0x7FFFFFFF, v12;
	v61 =	vsel vm0, v57, v58;
	v15 =	vsel vm1, v15, v59  }
0x10f: {  	v44 =	vand.u32 $0xFFFFFFE0, v14;
	v60 =	vshra.s32 v11, $0x1F;
	vm0 =	vgt.s32 v15, v61  }
0x110: {  	v11 =	vand.u32 $0xFFFFFFE0, v11;
	v62 =	vand.u32 $0x7FFFFFFF, v60;
	v15 =	vsel vm0, v15, v61  }
0x111: {  	v11 =	vxor.u32 v11, v62;
	vm0 =	veq.s32 v35, v15;
	vm8 =	veq.s32 v38, v15  }
0x112: {  	vm9 =	veq.s32 v37, v15;
	vm10 =	veq.s32 v39, v15;
	vm11 =	veq.s32 v17, v15  }
0x113: {  	vm12 =	veq.s32 v16, v15;
	vm13 =	veq.s32 v18, v15;
	vm14 =	veq.s32 v20, v15  }
0x114: {  	vm15 =	veq.s32 v19, v15;
	vm4 =	veq.s32 v21, v15;
	vm5 =	veq.s32 v23, v15  }
0x115: {  	vm6 =	veq.s32 v22, v15;
	vm7 =	veq.s32 v24, v15;
	v35 =	vsel vm0, $0x80000000, v35  }
0x116: {  	v38 =	vsel vm8, $0x80000000, v38;
	v37 =	vsel vm9, $0x80000000, v37;
	v39 =	vsel vm10, $0x80000000, v39  }
0x117: {  	v17 =	vsel vm11, $0x80000000, v17;
	v41 =	vsel vm12, $0x80000000, v16;
	v18 =	vsel vm13, $0x80000000, v18  }
0x118: {  	v20 =	vsel vm14, $0x80000000, v20;
	v42 =	vsel vm15, $0x80000000, v19;
	v21 =	vsel vm4, $0x80000000, v21  }
0x119: {  	v23 =	vsel vm5, $0x80000000, v23;
	vm8 =	veq.s32 v25, v15;
	v43 =	vsel vm6, $0x80000000, v22  }
0x11a: {  	v24 =	vsel vm7, $0x80000000, v24;
	vm9 =	veq.s32 v26, v15;
	vm10 =	veq.s32 v28, v15  }
0x11b: {  	vm11 =	veq.s32 v33, v15;
	vm12 =	veq.s32 v29, v15;
	vm13 =	veq.s32 v36, v15  }
0x11c: {  	vm14 =	veq.s32 v31, v15;
	vm15 =	veq.s32 v27, v15;
	vm4 =	veq.s32 v34, v15  }
0x11d: {  	vm5 =	veq.s32 v32, v15;
	vm6 =	veq.s32 v30, v15;
	v25 =	vsel vm8, $0x80000000, v25  }
0x11e: {  	v26 =	vsel vm9, $0x80000000, v26;
	v28 =	vsel vm10, $0x80000000, v28;
	v33 =	vsel vm11, $0x80000000, v33  }
0x11f: {  	v29 =	vsel vm12, $0x80000000, v29;
	v36 =	vsel vm13, $0x80000000, v36;
	v31 =	vsel vm14, $0x80000000, v31  }
0x120: {  	v27 =	vsel vm15, $0x80000000, v27;
	v34 =	vsel vm4, $0x80000000, v34;
	v32 =	vsel vm5, $0x80000000, v32  }
0x121: {  	vm7 =	vgt.s32 v35, v38;
	vm8 =	vgt.s32 v37, v39;
	v30 =	vsel vm6, $0x80000000, v30  }
0x122: {  	vm9 =	vgt.s32 v17, v41;
	vm10 =	vgt.s32 v18, v20;
	vm11 =	vgt.s32 v42, v21  }
0x123: {  	vm12 =	vgt.s32 v23, v43;
	v16 =	vsel vm7, v35, v38;
	v19 =	vsel vm8, v37, v39  }
0x124: {  	v63 =	vsel vm9, v17, v41;
	v56 =	vsel vm10, v18, v20;
	v57 =	vsel vm11, v42, v21  }
0x125: {  	vm13 =	vgt.s32 v24, v25;
	vm14 =	vgt.s32 v26, v28;
	v58 =	vsel vm12, v23, v43  }
0x126: {  	vm15 =	vgt.s32 v33, v29;
	vm4 =	vgt.s32 v36, v31;
	vm5 =	vgt.s32 v27, v34  }
0x127: {  	vm6 =	vgt.s32 v32, v30;
	v59 =	vsel vm13, v24, v25;
	v60 =	vsel vm14, v26, v28  }
0x128: {  	v61 =	vsel vm15, v33, v29;
	v62 =	vsel vm4, v36, v31;
	v51 =	vsel vm5, v27, v34  }
0x129: {  	vm7 =	vgt.s32 v16, v19;
	vm8 =	vgt.s32 v63, v56;
	v52 =	vsel vm6, v32, v30  }
0x12a: {  	vm9 =	vgt.s32 v57, v58;
	v16 =	vsel vm7, v16, v19;
	v63 =	vsel vm8, v63, v56  }
0x12b: {  	vm10 =	vgt.s32 v59, v60;
	vm11 =	vgt.s32 v61, v62;
	v53 =	vsel vm9, v57, v58  }
0x12c: {  	vm12 =	vgt.s32 v51, v52;
	v58 =	vshra.s32 v13, $0x1F;
	v54 =	vsel vm10, v59, v60  }
0x12d: {  	v55 =	vsel vm11, v61, v62;
	vm13 =	vgt.s32 v16, v63;
	v56 =	vsel vm12, v51, v52  }
0x12e: {  	v60 =	vand.u32 $0xFFFFFFE0, v13;
	v22 =	vand.u32 $0x7FFFFFFF, v58;
	vm14 =	vgt.s32 v53, v54  }
0x12f: {  	v13 =	vxor.u32 v40, v12;
	v16 =	vsel vm13, v16, v63;
	v57 =	vsel vm14, v53, v54  }
0x130: {  	vm0 =	vgt.s32 v55, v56;
	v12 =	vxor.u32 v60, v22;
	vm1 =	vgt.s32 v16, v57  }
0x131: {  	v13 =	vsub.f32 v13, v11;
	v59 =	vsel vm0, v55, v56;
	v16 =	vsel vm1, v16, v57  }
0x132: {  	v45 =	vshra.s32 v14, $0x1F;
	v12 =	vsub.f32 v12, v11;
	vm0 =	vgt.s32 v16, v59  }
0x133: {  	v55 =	vand.u32 $0x7FFFFFFF, v45;
	v13 =	vmul.f32 $1.442695020e+00, v13;
	v40 =	vsel vm0, v16, v59  }
0x134: {  	v12 =	vmul.f32 $1.442695020e+00, v12;
	vm0 =	veq.s32 v35, v40;
	vm15 =	veq.s32 v38, v40  }
0x135: {  	vm4 =	veq.s32 v37, v40;
	vm5 =	veq.s32 v39, v40;
	vm6 =	veq.s32 v17, v40  }
0x136: {  	vm7 =	veq.s32 v41, v40;
	vm8 =	veq.s32 v18, v40;
	vm9 =	veq.s32 v20, v40  }
0x137: {  	vm10 =	veq.s32 v42, v40;
	vm11 =	veq.s32 v21, v40;
	vm12 =	veq.s32 v23, v40  }
0x138: {  	vm13 =	veq.s32 v43, v40;
	vm14 =	veq.s32 v24, v40;
	v16 =	vsel vm0, $0x80000000, v35  }
0x139: {  	v35 =	vsel vm15, $0x80000000, v38;
	v14 =	vsel vm4, $0x80000000, v37;
	v37 =	vsel vm5, $0x80000000, v39  }
0x13a: {  	v19 =	vsel vm6, $0x80000000, v17;
	v38 =	vsel vm7, $0x80000000, v41;
	v17 =	vsel vm8, $0x80000000, v18  }
0x13b: {  	v39 =	vsel vm9, $0x80000000, v20;
	v18 =	vsel vm10, $0x80000000, v42;
	v41 =	vsel vm11, $0x80000000, v21  }
0x13c: {  	v22 =	vsel vm12, $0x80000000, v23;
	v42 =	vsel vm13, $0x80000000, v43;
	v20 =	vsel vm14, $0x80000000, v24  }
0x13d: {  	vm15 =	veq.s32 v25, v40;
	vm4 =	veq.s32 v26, v40;
	vm5 =	veq.s32 v28, v40  }
0x13e: {  	vm6 =	veq.s32 v33, v40;
	vm7 =	veq.s32 v29, v40;
	vm8 =	veq.s32 v36, v40  }
0x13f: {  	vm9 =	veq.s32 v31, v40;
	vm10 =	veq.s32 v27, v40;
	vm11 =	veq.s32 v34, v40  }
0x140: {  	vm12 =	veq.s32 v32, v40;
	vm13 =	veq.s32 v30, v40;
	v25 =	vsel vm15, $0x80000000, v25  }
0x141: {  	v21 =	vsel vm4, $0x80000000, v26;
	v26 =	vsel vm5, $0x80000000, v28;
	v28 =	vsel vm6, $0x80000000, v33  }
0x142: {  	v29 =	vsel vm7, $0x80000000, v29;
	v23 =	vsel vm8, $0x80000000, v36;
	v31 =	vsel vm9, $0x80000000, v31  }
0x143: {  	v24 =	vsel vm10, $0x80000000, v27;
	v27 =	vsel vm11, $0x80000000, v34;
	v32 =	vsel vm12, $0x80000000, v32  }
0x144: {  	v30 =	vsel vm13, $0x80000000, v30;
	vm14 =	vgt.s32 v16, v35;
	vm15 =	vgt.s32 v14, v37  }
0x145: {  	vm4 =	vgt.s32 v19, v38;
	vm5 =	vgt.s32 v17, v39;
	vm6 =	vgt.s32 v18, v41  }
0x146: {  	vm7 =	vgt.s32 v22, v42;
	v61 =	vsel vm14, v16, v35;
	v62 =	vsel vm15, v14, v37  }
0x147: {  	v36 =	vsel vm4, v19, v38;
	v43 =	vsel vm5, v17, v39;
	v63 =	vsel vm6, v18, v41  }
0x148: {  	v56 =	vsel vm7, v22, v42;
	vm8 =	vgt.s32 v20, v25;
	vm9 =	vgt.s32 v21, v26  }
0x149: {  	vm10 =	vgt.s32 v28, v29;
	vm11 =	vgt.s32 v23, v31;
	vm12 =	vgt.s32 v24, v27  }
0x14a: {  	vm14 =	vgt.s32 v32, v30;
	v57 =	vsel vm8, v20, v25;
	v58 =	vsel vm9, v21, v26  }
0x14b: {  	v59 =	vsel vm10, v28, v29;
	v60 =	vsel vm11, v23, v31;
	vm13 =	vgt.s32 v61, v62  }
0x14c: {  	vm15 =	vgt.s32 v36, v43;
	vm4 =	vgt.s32 v63, v56;
	v33 =	vsel vm13, v61, v62  }
0x14d: {  	v61 =	vsel vm12, v24, v27;
	v62 =	vsel vm14, v32, v30;
	v36 =	vsel vm15, v36, v43  }
0x14e: {  	vm5 =	vgt.s32 v57, v58;
	vm6 =	vgt.s32 v59, v60;
	v63 =	vsel vm4, v63, v56  }
0x14f: {  	v56 =	vshra.s32 v15, $0x1F;
	v49 =	vsel vm5, v57, v58;
	v53 =	vsel vm6, v59, v60  }
0x150: {  	vm7 =	vgt.s32 v61, v62;
	vm8 =	vgt.s32 v33, v36;
	vm9 =	vgt.s32 v63, v49  }
0x151: {  	v34 =	vsel vm7, v61, v62;
	v33 =	vsel vm8, v33, v36;
	v54 =	vsel vm9, v63, v49  }
0x152: {  	v15 =	vand.u32 $0xFFFFFFE0, v15;
	vm0 =	vgt.s32 v53, v34;
	vm1 =	vgt.s32 v33, v54  }
0x153: {  	v43 =	vxor.u32 v44, v55;
	v34 =	vsel vm0, v53, v34;
	v33 =	vsel vm1, v33, v54  }
0x154: {  	v57 =	vand.u32 $0x7FFFFFFF, v56;
	v58 =	vand.u32 $0xFFFFFFE0, v40;
	vm0 =	vgt.s32 v33, v34  }
0x155: {  	v59 =	vshra.s32 v40, $0x1F;
	v15 =	vxor.u32 v15, v57;
	v33 =	vsel vm0, v33, v34  }
0x156: {  	v36 =	vand.u32 $0x7FFFFFFF, v59;
	vm0 =	veq.s32 v35, v33;
	vm9 =	veq.s32 v16, v33  }
0x157: {  	vm10 =	veq.s32 v37, v33;
	vm11 =	veq.s32 v38, v33;
	vm6 =	veq.s32 v19, v33  }
0x158: {  	vm12 =	veq.s32 v39, v33;
	vm1 =	veq.s32 v17, v33;
	vm3 =	veq.s32 v41, v33  }
0x159: {  	vm2 =	veq.s32 v18, v33;
	vm13 =	veq.s32 v42, v33;
	vm7 =	veq.s32 v22, v33  }
0x15a: {  	vm4 =	veq.s32 v25, v33;
	vm5 =	veq.s32 v26, v33;
	vm14 =	veq.s32 v29, v33  }
0x15b: {  	vm8 =	veq.s32 v28, v33;
	vm15 =	veq.s32 v27, v33;
	v35 =	vsel vm0, $0x80000000, v35  }
0x15c: {  	vm0 =	veq.s32 v14, v33;
	v37 =	vsel vm10, $0x80000000, v37;
	v38 =	vsel vm11, $0x80000000, v38  }
0x15d: {  	v39 =	vsel vm12, $0x80000000, v39;
	v60 =	vsel vm3, $0x80000000, v41;
	v61 =	vsel vm13, $0x80000000, v42  }
0x15e: {  	vm3 =	veq.s32 v20, v33;
	v25 =	vsel vm4, $0x80000000, v25;
	vm4 =	veq.s32 v21, v33  }
0x15f: {  	v26 =	vsel vm5, $0x80000000, v26;
	v29 =	vsel vm14, $0x80000000, v29;
	vm10 =	veq.s32 v31, v33  }
0x160: {  	vm5 =	veq.s32 v23, v33;
	v27 =	vsel vm15, $0x80000000, v27;
	vm12 =	veq.s32 v30, v33  }
0x161: {  	v41 =	vsub.f32 v15, v11;
	v42 =	vand.u32 $0xFFFFFFE0, v33;
	v31 =	vsel vm10, $0x80000000, v31  }
0x162: {  	vm11 =	vgt.s32 v16, v35;
	v30 =	vsel vm12, $0x80000000, v30;
	vm10 =	veq.s32 v24, v33  }
0x163: {  	vm12 =	veq.s32 v32, v33;
	vm13 =	vgt.s32 v17, v39;
	vm14 =	vgt.s32 v18, v60  }
0x164: {  	vm15 =	vgt.s32 v22, v61;
	v16 =	vsel vm11, v16, v35;
	vm11 =	vgt.s32 v19, v38  }
0x165: {  	v17 =	vsel vm13, v17, v39;
	v18 =	vsel vm14, v18, v60;
	v22 =	vsel vm15, v22, v61  }
0x166: {  	vm13 =	vgt.s32 v28, v29;
	vm14 =	vgt.s32 v23, v31;
	vm15 =	vgt.s32 v24, v27  }
0x167: {  	v16 =	vsel vm9, v35, v16;
	vm9 =	vgt.s32 v14, v37;
	v19 =	vsel vm11, v19, v38  }
0x168: {  	v17 =	vsel vm1, v39, v17;
	v18 =	vsel vm2, v60, v18;
	v22 =	vsel vm7, v61, v22  }
0x169: {  	vm11 =	vgt.s32 v21, v26;
	v62 =	vsel vm13, v28, v29;
	v23 =	vsel vm14, v23, v31  }
0x16a: {  	v24 =	vsel vm15, v24, v27;
	v39 =	vshra.s32 v33, $0x1F;
	v14 =	vsel vm9, v14, v37  }
0x16b: {  	v19 =	vsel vm6, v38, v19;
	vm9 =	vgt.s32 v20, v25;
	v21 =	vsel vm11, v21, v26  }
0x16c: {  	v23 =	vsel vm5, v31, v23;
	v24 =	vsel vm10, v27, v24;
	v38 =	vxor.u32 v58, v36  }
0x16d: {  	v14 =	vsel vm0, v37, v14;
	v20 =	vsel vm9, v20, v25;
	v21 =	vsel vm4, v26, v21  }
0x16e: {  	vm4 =	vgt.s32 v32, v30;
	vm7 =	vgt.s32 v19, v17;
	v37 =	vsub.f32 v43, v11  }
0x16f: {  	v44 =	vsub.f32 v38, v11;
	v20 =	vsel vm3, v25, v20;
	v25 =	vsel vm8, v29, v62  }
0x170: {  	v63 =	vsel vm4, v32, v30;
	vm6 =	vgt.s32 v16, v14;
	vm8 =	vgt.s32 v18, v22  }
0x171: {  	v27 =	vsel vm7, v19, v17;
	v32 =	vsub.f32 v11, v11;
	v26 =	vsel vm12, v30, v63  }
0x172: {  	v14 =	vsel vm6, v16, v14;
	v28 =	vsel vm8, v18, v22;
	vm9 =	vgt.s32 v20, v21  }
0x173: {  	vm10 =	vgt.s32 v25, v23;
	v29 =	vsel vm9, v20, v21;
	v16 =	vmul.f32 $1.442695020e+00, v32  }
0x174: {  	vm11 =	vgt.s32 v24, v26;
	v30 =	vsel vm10, v25, v23;
	vm12 =	vgt.s32 v14, v27  }
0x175: {  	v31 =	vsel vm11, v24, v26;
	vm13 =	vgt.s32 v28, v29;
	(erf) = vpow2.f32 v16  }
0x176: {  	v14 =	vsel vm12, v14, v27;
	v17 =	vsel vm13, v28, v29;
	(erf) = vpow2.f32 v13  }
0x177: {  	v40 =	vmul.f32 $1.442695020e+00, v37;
	vm14 =	vgt.s32 v30, v31;
	vm15 =	vgt.s32 v14, v17  }
0x178: {  	v35 =	vsel vm14, v30, v31;
	v14 =	vsel vm15, v14, v17;
	(erf) = vpow2.f32 v12  }
0x179: {  	v43 =	vmul.f32 $1.442695020e+00, v41;
	v46 =	vmul.f32 $1.442695020e+00, v44;
	vm0 =	vgt.s32 v14, v35  }
0x17a: {  	v17 =	vand.u32 $0x7FFFFFFF, v39;
	(erf) = vpow2.f32 v40;
	v14 =	vsel vm0, v14, v35  }
0x17b: {  	v15 =	vxor.u32 v42, v17;
	(erf) = vpow2.f32 v43;
	v18 =	vshra.s32 v14, $0x1F  }
0x17c: {  	v47 =	vsub.f32 v15, v11;
	v14 =	vand.u32 $0xFFFFFFE0, v14;
	v45 =	vand.u32 $0x7FFFFFFF, v18  }
0x17d: {  	v14 =	vxor.u32 v14, v45  }
0x17e: {  	v49 =	vmul.f32 $1.442695020e+00, v47;
	v11 =	vsub.f32 v14, v11;
	v48 =	vpop (erf);
	(erf) = vpow2.f32 v46  }
0x17f: {  	v50 =	vpop (erf)  }
0x180: {  	(erf) = vpow2.f32 v49;
	v11 =	vmul.f32 $1.442695020e+00, v11;
	v51 =	vadd.f32 v50, v48  }
0x181: {  	v52 =	vpop (erf)  }
0x182: {  	(erf) = vpow2.f32 v11;
	v53 =	vadd.f32 v52, v51  }
0x183: {  	v54 =	vpop (erf)  }
0x184: {  	v11 =	vadd.f32 v54, v53  }
0x185: {  	v55 =	vpop (erf)  }
0x186: {  	v11 =	vadd.f32 v55, v11  }
0x187: {  	v56 =	vpop (erf)  }
0x188: {  	v11 =	vadd.f32 v56, v11  }
0x189: {  	v57 =	vpop (erf)  }
0x18a: {  	v11 =	vadd.f32 v57, v11  }
0x18b: {  	v58 =	vpop (erf)  }
0x18c: {  	v11 =	vadd.f32 v58, v11;
	_ =	sdelay $0x1  }
0x18d: {  	(erf) = vrcp.f32 v11;
	_ =	sdelay $0x8  }
0x18e: {  	v11 =	vpop (erf)  }
0x18f: {  	v15 =	vmul.f32 v11, v48  }
0x190: {  	v13 =	vmul.f32 v11, v50  }
0x191: {  	v59 =	vmul.f32 v11, v52;
	[tilespmem:v10+s9+$0x0] =	vst.idx.msk $0xffff, v15  }
0x192: {  	v60 =	vmul.f32 v11, v54;
	[tilespmem:v9+s9+$0x0] =	vst.idx.msk $0xffff, v13  }
0x193: {  	p0 =	sne.s32 s11, $0xF0;
	v61 =	vmul.f32 v11, v55;
	[tilespmem:v8+s9+$0x0] =	vst.idx.msk $0xffff, v59  }
.Ltmp0:
0x194: {  	v62 =	vmul.f32 v11, v56;
	[tilespmem:v7+s9+$0x0] =	vst.idx.msk $0xffff, v60;
	(pc) =	sbr.rel @p0 .LBB2_2-.Ltmp0, $4  }
0x195: {  	[tilespmem:v3+s9+$0x0] =	vst.idx.msk $0xffff, v61;
	v3 =	vmul.f32 v11, v57  }
0x196: {  	v63 =	vmul.f32 v11, v58;
	[tilespmem:v4+s9+$0x0] =	vst.idx.msk $0xffff, v62  }
0x197: {  	[tilespmem:v5+s9+$0x0] =	vst.idx.msk $0xffff, v3  }
0x198: {  	s11 =	sadd.s32 $0x10, s11;
	[tilespmem:v6+s9+$0x0] =	vst.idx.msk $0xffff, v63  }
0x199: {  	s10 =	sadd.s32 $0x1, s10  }
0x19a: {  	p0 =	sne.s32 s10, s6  }
.Ltmp1:
0x19b: {  	_ = 	snop;
	(pc) =	sbr.rel @p0 .LBB2_1-.Ltmp1, $4  }
0x19c: {  	[hbm4b:s5+s2] =	stream.linear.scatter [tilespmem:s9], [sflag:$0x1], $0x8000, $0x38;
	[tilespmem:$0x18000] =	vst v63  }
0x19d: {  	_ =	swait.ge [sflag:s7], $0x8000  }
0x19e: {  	[sflag:s7] =	ssyncset.done $0x0  }
0x19f: {  	[sflag:s7] =	ssyncadd.s32 $0xFFFF8000  }
0x1a0: {  	_ =	sfence.sel $0x180000  }
0x1a1: {  	[bflag:$0x0] =	sbarrier.arrive $0xFFFF  }
0x1a2: {  	p0 =	sne.s32 s1, $0x0;
	_ =	strace $0x90000047  }
0x1a3: {  	s0 =	sadd.s32 @!p0 $0x100000, s0;
	[bflag:$0x2] =	sbarrier.arrive $0xFFFF  }
0x1a4: {  	[sflag:s0] =	ssyncadd.tile.s32 @!p0 $0x1;
	_ =	shalt  }
.Lfunc_end2:
_tile_overlayer_lowered:
.L_overlay_start_2:
0x1a5: {  	(tag) =	ssettag $0x2  }
0x1a6: {  	s0 =	rddreg [dreg:$0x0];
	s2 =	stileid.u32  }
0x1a7: {  	s1 =	rddreg [dreg:$0x1];
	p0 =	sne.s32 s2, $0x0  }
0x1a8: {  	s3 =	rddreg [dreg:$0x2];
	[bflag:$0x3] =	sbarrier.arrive $0xFFFF;
	s2 =	simm.s32 @!p0 $0x1C01  }
0x1a9: {  	[timem:s3], [sflag:s2] =	dma.local @!p0 [hbm:s0], s1  }
0x1aa: {  	s0 =	simm.s32 @!p0 $0x1  }
0x1ab: {  	_ =	swait.ge @!p0 [sflag:s0], s1  }
0x1ac: {  	s1 =	ssub.s32 @!p0 $0x0, s1;
	[sflag:s0] =	ssyncset.done @!p0 $0x0  }
0x1ad: {  	[sflag:s0] =	ssyncadd.s32 @!p0 s1  }
0x1ae: {  	[bflag:$0x3] =	sbarrier.arrive $0xFFFF  }
0x1af: {  	_ =	shalt  }

</sc_bundles>
